<compile_context>
chip_gen: v7x
topology: tpu7x:2x2x1
jax: 0.10.2.dev20260603
libtpu: 0.0.44.dev20260713+nightly
codegen_flags: <defaults>
</compile_context>

<pallas_src>
import functools

import jax
import jax.numpy as jnp
from jax import lax
from jax.experimental import pallas as pl
from jax.experimental.pallas import tpu as pltpu
from jax.experimental.pallas import tpu_sc as plsc

N = 10000
E = 320000
D = 128
H = 64

NC = 2
NS = 16
NW = NC * NS

ROWS = E // 128
ROWS_PAD = 2560
ROWS_PER_W = ROWS_PAD // NW
E_PAD = ROWS_PAD * 128
GR = 1
GROUPS = ROWS_PER_W // GR

BE = 2560
NBLK = E // BE
QW = BE // 128

def _sc_gather_body(x_hbm, src_hbm, dst_hbm, xi_hbm, xj_hbm,
                    isrc_v, idst_v, xi_v, xj_v, x_sh, sem):
    c = lax.axis_index("c")
    s = lax.axis_index("s")
    wid = s * NC + c
    row0 = wid * ROWS_PER_W

    @pl.when(s == 0)
    def _stage():
        pltpu.sync_copy(x_hbm, x_sh)

    plsc.subcore_barrier()

    @pl.loop(0, GROUPS)
    def _group(t):
        r0 = row0 + t * GR
        pltpu.sync_copy(src_hbm.at[pl.ds(r0, GR)], isrc_v)
        pltpu.sync_copy(dst_hbm.at[pl.ds(r0, GR)], idst_v)
        cps = []
        for j in range(GR):
            cps.append(pltpu.async_copy(
                x_sh.at[isrc_v.at[j]], xj_v.at[pl.ds(j * 128, 128)], sem))
            cps.append(pltpu.async_copy(
                x_sh.at[idst_v.at[j]], xi_v.at[pl.ds(j * 128, 128)], sem))
        for cp in cps:
            cp.wait()
        pltpu.sync_copy(xj_v, xj_hbm.at[pl.ds(r0 * 128, GR * 128)])
        pltpu.sync_copy(xi_v, xi_hbm.at[pl.ds(r0 * 128, GR * 128)])


@functools.cache
def _sc_gather():
    mesh = plsc.VectorSubcoreMesh(core_axis_name="c", subcore_axis_name="s",
                                  num_cores=NC, num_subcores=NS)
    return pl.kernel(
        _sc_gather_body,
        out_type=[jax.ShapeDtypeStruct((E_PAD, D), jnp.float32),
                  jax.ShapeDtypeStruct((E_PAD, D), jnp.float32)],
        mesh=mesh,
        scratch_types=[
            pltpu.VMEM((GR, 128), jnp.int32),
            pltpu.VMEM((GR, 128), jnp.int32),
            pltpu.VMEM((GR * 128, D), jnp.float32),
            pltpu.VMEM((GR * 128, D), jnp.float32),
            pltpu.VMEM_SHARED((N, D), jnp.float32),
            pltpu.SemaphoreType.DMA,
        ],
    )


def _sc_scatter_body(msg_hbm, dsti_hbm, zeros_hbm, out_hbm,
                     idx_v, msg_v, acc_sh):
    c = lax.axis_index("c")
    s = lax.axis_index("s")
    wid = s * NC + c

    @pl.when(s == 0)
    def _zero():
        pltpu.sync_copy(zeros_hbm, acc_sh)

    plsc.subcore_barrier()

    niter = (ROWS + NW - 1) // NW

    @pl.loop(0, niter)
    def _it(t):
        r = wid + NW * t

        @pl.when(r < ROWS)
        def _do():
            pltpu.sync_copy(dsti_hbm.at[r], idx_v)
            pltpu.sync_copy(msg_hbm.at[pl.ds(r * 128, 128)], msg_v)
            pltpu.sync_copy(msg_v, acc_sh.at[idx_v], add=True)

    plsc.subcore_barrier()

    @pl.when(s == 0)
    def _out():
        pltpu.sync_copy(acc_sh, out_hbm.at[c])


@functools.cache
def _sc_scatter():
    mesh = plsc.VectorSubcoreMesh(core_axis_name="c", subcore_axis_name="s",
                                  num_cores=NC, num_subcores=NS)
    return pl.kernel(
        _sc_scatter_body,
        out_type=jax.ShapeDtypeStruct((NC, N, 128), jnp.float32),
        mesh=mesh,
        scratch_types=[
            pltpu.VMEM((128,), jnp.int32),
            pltpu.VMEM((128, 128), jnp.float32),
            pltpu.VMEM_SHARED((N, 128), jnp.float32),
        ],
    )


def _stats_body(xi_ref, xj_ref, acc_ref):
    i = pl.program_id(0)
    xi = xi_ref[...].astype(jnp.float32)
    d = xj_ref[...].astype(jnp.float32) - xi
    blk = jnp.concatenate([
        jnp.sum(xi, axis=0)[None],
        jnp.sum(xi * xi, axis=0)[None],
        jnp.sum(d, axis=0)[None],
        jnp.sum(d * d, axis=0)[None],
    ], axis=0)

    @pl.when(i == 0)
    def _init():
        acc_ref[...] = blk

    @pl.when(i > 0)
    def _acc():
        acc_ref[...] += blk


def _dot(a, b):
    return lax.dot_general(a, b, (((1,), (0,)), ((), ())),
                           precision=lax.Precision.HIGHEST,
                           preferred_element_type=jnp.float32)


def _dot16(a, b):
    return lax.dot_general(a, b, (((1,), (0,)), ((), ())),
                           preferred_element_type=jnp.float32)


def _mlp1_body(xi_ref, xj_ref, coef_ref, w1_ref, y_ref, acc_ref):
    i = pl.program_id(0)
    xi = xi_ref[...].astype(jnp.float32)
    d = xj_ref[...].astype(jnp.float32) - xi
    zi = xi * coef_ref[0:1] + coef_ref[2:3]
    zi = jnp.maximum(zi, 0.2 * zi)
    zd = d * coef_ref[1:2] + coef_ref[3:4]
    zd = jnp.maximum(zd, 0.2 * zd)
    w1 = w1_ref[...].astype(jnp.bfloat16)
    y = (_dot16(zi.astype(jnp.bfloat16), w1[0:D])
         + _dot16(zd.astype(jnp.bfloat16), w1[D:2 * D]))
    y_ref[...] = jnp.concatenate([y[:BE // 2], y[BE // 2:]], axis=1)
    blk = jnp.concatenate([
        jnp.sum(y, axis=0)[None],
        jnp.sum(y * y, axis=0)[None],
    ], axis=0)

    @pl.when(i == 0)
    def _init():
        acc_ref[...] = blk

    @pl.when(i > 0)
    def _acc():
        acc_ref[...] += blk


def _mlp2_body(y_ref, wt_ref, coef2_ref, w2_ref, msg_ref):
    y2 = y_ref[...]
    ya = y2[:, :H]
    yb = y2[:, H:]
    za = ya * coef2_ref[0:1] + coef2_ref[1:2]
    za = jnp.maximum(za, 0.2 * za)
    zb = yb * coef2_ref[0:1] + coef2_ref[1:2]
    zb = jnp.maximum(zb, 0.2 * zb)
    ma = _dot(za, w2_ref[...])
    mb = _dot(zb, w2_ref[...])
    wt = wt_ref[...][0]
    wca = jnp.concatenate([wt[:, q:q + 1] for q in range(QW // 2)], axis=0)
    wcb = jnp.concatenate([wt[:, q:q + 1] for q in range(QW // 2, QW)], axis=0)
    m = jnp.concatenate([ma * wca, mb * wcb], axis=0)
    msg_ref[...] = jnp.concatenate(
        [m, jnp.zeros((BE, 128 - H), jnp.float32)], axis=1)


def kernel(x, edge_index, edge_weight, g1, b1, W1, g2, b2, W2):
    src = edge_index[0].astype(jnp.int32)
    dst = edge_index[1].astype(jnp.int32)
    pad = E_PAD - E
    src2 = jnp.pad(src, (0, pad)).reshape(ROWS_PAD, 128)
    dst2 = jnp.pad(dst, (0, pad)).reshape(ROWS_PAD, 128)

    xi, xj = _sc_gather()(x, src2, dst2)

    sums = pl.pallas_call(
        _stats_body,
        grid=(NBLK,),
        in_specs=[pl.BlockSpec((BE, D), lambda i: (i, 0)),
                  pl.BlockSpec((BE, D), lambda i: (i, 0))],
        out_specs=pl.BlockSpec((4, D), lambda i: (0, 0)),
        out_shape=jax.ShapeDtypeStruct((4, D), jnp.float32),
    )(xi, xj)

    eps = 1e-5
    mean1 = sums[0::2] / E
    var1 = sums[1::2] / E - mean1 * mean1
    g1m = g1.reshape(2, D)
    b1m = b1.reshape(2, D)
    a1 = g1m * lax.rsqrt(var1 + eps)
    c1 = b1m - mean1 * a1
    coef1 = jnp.concatenate([a1, c1], axis=0)

    y, ysums = pl.pallas_call(
        _mlp1_body,
        grid=(NBLK,),
        in_specs=[pl.BlockSpec((BE, D), lambda i: (i, 0)),
                  pl.BlockSpec((BE, D), lambda i: (i, 0)),
                  pl.BlockSpec((4, D), lambda i: (0, 0)),
                  pl.BlockSpec((2 * D, H), lambda i: (0, 0))],
        out_specs=[pl.BlockSpec((BE // 2, 2 * H), lambda i: (i, 0)),
                   pl.BlockSpec((2, H), lambda i: (0, 0))],
        out_shape=[jax.ShapeDtypeStruct((E // 2, 2 * H), jnp.float32),
                   jax.ShapeDtypeStruct((2, H), jnp.float32)],
    )(xi, xj, coef1, W1)

    mean2 = ysums[0] / E
    var2 = ysums[1] / E - mean2 * mean2
    a2 = g2 * lax.rsqrt(var2 + eps)
    c2 = b2 - mean2 * a2
    coef2 = jnp.concatenate([a2[None], c2[None]], axis=0)

    wt = edge_weight.reshape(NBLK, QW, 128).transpose(0, 2, 1)

    msg = pl.pallas_call(
        _mlp2_body,
        grid=(NBLK,),
        in_specs=[pl.BlockSpec((BE // 2, 2 * H), lambda i: (i, 0)),
                  pl.BlockSpec((1, 128, QW), lambda i: (i, 0, 0)),
                  pl.BlockSpec((2, H), lambda i: (0, 0)),
                  pl.BlockSpec((H, H), lambda i: (0, 0))],
        out_specs=pl.BlockSpec((BE, 128), lambda i: (i, 0)),
        out_shape=jax.ShapeDtypeStruct((E, 128), jnp.float32),
    )(y, wt, coef2, W2)

    dsti = dst.reshape(ROWS, 128)
    zeros = jnp.zeros((N, 128), jnp.float32)
    partials = _sc_scatter()(msg, dsti, zeros)
    return (partials[0] + partials[1])[:, :H]

# --- scband reference (transcript-rebuilt; emitter-appended) ---
"""Pipeline reference for scband-gnn-28174985462647 (READ-ONLY COPY).

The authoritative reference and input builder live on the scoring server;
editing this copy changes nothing except your own understanding.
"""

import jax, jax.numpy as jnp
import numpy as np

N = 10000
E = 320000
D = 128
H = 64


def setup_inputs(seed: int = 0) -> dict:
    key = jax.random.key(seed)
    ks = jax.random.split(key, 8)
    x = jax.random.normal(ks[0], (N, D), dtype=jnp.float32)
    edge_index = jax.random.randint(ks[1], (2, E), 0, N, dtype=jnp.int64)
    edge_weight = jax.random.uniform(ks[2], (E,), dtype=jnp.float32)
    # MLP(2*D, H, H, norm='batch'): BN(2D)->LeakyReLU->Linear(2D,H,bias=False)->BN(H)->LeakyReLU->Linear(H,H,bias=False)
    g1 = jnp.ones((2 * D,), dtype=jnp.float32)
    b1 = jnp.zeros((2 * D,), dtype=jnp.float32)
    W1 = jax.random.normal(ks[3], (2 * D, H), dtype=jnp.float32) * (1.0 / np.sqrt(2 * D))
    g2 = jnp.ones((H,), dtype=jnp.float32)
    b2 = jnp.zeros((H,), dtype=jnp.float32)
    W2 = jax.random.normal(ks[4], (H, H), dtype=jnp.float32) * (1.0 / np.sqrt(H))
    return {"x": x, "edge_index": edge_index, "edge_weight": edge_weight,
            "g1": g1, "b1": b1, "W1": W1, "g2": g2, "b2": b2, "W2": W2}


def _bn(h, g, b, eps=1e-5):
    m = h.mean(axis=0)
    v = h.var(axis=0)
    return (h - m) / jnp.sqrt(v + eps) * g + b


def reference(x, edge_index, edge_weight, g1, b1, W1, g2, b2, W2):
    # WeightedEdgeConv: message = edge_weight * MLP(cat([x_i, x_j - x_i])), aggr='add' at dst
    src = edge_index[0]
    dst = edge_index[1]
    x_j = jnp.take(x, src, axis=0)
    x_i = jnp.take(x, dst, axis=0)
    h = jnp.concatenate([x_i, x_j - x_i], axis=-1)
    h = _bn(h, g1, b1)
    h = jax.nn.leaky_relu(h, negative_slope=0.2)
    h = h @ W1
    h = _bn(h, g2, b2)
    h = jax.nn.leaky_relu(h, negative_slope=0.2)
    h = h @ W2
    msg = edge_weight[:, None] * h
    out = jax.ops.segment_sum(msg, dst, num_segments=x.shape[0])
    return out

if __name__ == "__main__":
    import jax
    _d = setup_inputs()
    print(jax.jit(kernel)(*tuple(_d.values())))

</pallas_src>

<mosaic_0001>
#map = affine_map<(d0, d1) -> (0, 0)>
#map1 = affine_map<(d0, d1) -> (0, 0, 0)>
module attributes {stable_mosaic.version = 14 : i64} {
  func.func @_sc_scatter_body(%arg0: i32, %arg1: i32, %arg2: memref<320000x128xf32, #tpu.memory_space<hbm>>, %arg3: memref<2500x128xi32, #tpu.memory_space<hbm>>, %arg4: memref<10000x128xf32, #tpu.memory_space<hbm>>, %arg5: memref<2x10000x128xf32, #tpu.memory_space<hbm>>, %arg6: memref<128xi32, #tpu.memory_space<vmem>>, %arg7: memref<128x128xf32, #tpu.memory_space<vmem>>, %arg8: memref<10000x128xf32, #tpu.memory_space<vmem_shared>>) attributes {dimension_semantics = [#tpu.dimension_semantics<core_parallel>, #tpu.dimension_semantics<subcore_parallel>], iteration_bounds = array<i64: 2, 16>, scalar_prefetch = 0 : i64, scratch_operands = 3 : i64, tpu.core_type = #tpu.core_type<sc_vector_subcore>, window_params = [{transform_indices = #map}, {transform_indices = #map}, {transform_indices = #map}, {transform_indices = #map1}]} {
    %mul3A = arith.constant 2 : i32
    %mul3A_0 = arith.muli %arg1, %mul3A : i32
    %add3A = arith.addi %mul3A_0, %arg0 : i32
    %eq3A = arith.constant 0 : i32
    %eq3A_1 = arith.cmpi eq, %arg1, %eq3A : i32
    %convert_element_type3A = arith.extui %eq3A_1 : i1 to i32
    %cond3A = arith.constant 0 : i32
    %cond3A_2 = arith.cmpi ne, %convert_element_type3A, %cond3A : i32
    scf.if %cond3A_2 {
      "tpu.region"() ({
        %run_scoped3A = tpu.sem_alloc : memref<!tpu.dma_semaphore, #tpu.memory_space<semaphore_mem>>
        tpu.enqueue_dma source(%arg4 : memref<10000x128xf32, #tpu.memory_space<hbm>>) target(%arg8 : memref<10000x128xf32, #tpu.memory_space<vmem_shared>>) target_semaphore(%run_scoped3A : memref<!tpu.dma_semaphore, #tpu.memory_space<semaphore_mem>>)
        tpu.wait_dma2 semaphore(%run_scoped3A : memref<!tpu.dma_semaphore, #tpu.memory_space<semaphore_mem>>) src(%arg4 : memref<10000x128xf32, #tpu.memory_space<hbm>>) dst(%arg8 : memref<10000x128xf32, #tpu.memory_space<vmem_shared>>)
        tpu.yield
      }) : () -> ()
    } else {
    }
    %barrier3A = arith.constant 0 : index
    tpu.barrier barrier_id(%barrier3A)
    %scan3A = arith.constant 0 : i32
    %scan3A_3 = arith.constant 79 : i32
    %scan3A_4 = arith.addi %scan3A, %scan3A_3 : i32
    %scan3A_5 = arith.constant 1 : i32
    scf.for %scan3A_13 = %scan3A to %scan3A_4 step %scan3A_5  : i32 {
      %mul3A_14 = arith.constant 1 : i32
      %mul3A_15 = arith.muli %scan3A_13, %mul3A_14 : i32
      %add3A_16 = arith.constant 0 : i32
      %add3A_17 = arith.addi %add3A_16, %mul3A_15 : i32
      %mul3A_18 = arith.constant 32 : i32
      %mul3A_19 = arith.muli %mul3A_18, %add3A_17 : i32
      %add3A_20 = arith.addi %add3A, %mul3A_19 : i32
      %lt3A = arith.constant 2500 : i32
      %lt3A_21 = arith.cmpi slt, %add3A_20, %lt3A : i32
      %convert_element_type3A_22 = arith.extui %lt3A_21 : i1 to i32
      %cond3A_23 = arith.constant 0 : i32
      %cond3A_24 = arith.cmpi ne, %convert_element_type3A_22, %cond3A_23 : i32
      scf.if %cond3A_24 {
        "tpu.region"() ({
          %run_scoped3A = tpu.sem_alloc : memref<!tpu.dma_semaphore, #tpu.memory_space<semaphore_mem>>
          %dma_start3A = arith.constant 0 : i32
          %dma_start3A_27 = tpu.memref_slice %arg3[%add3A_20, %dma_start3A] : memref<2500x128xi32, #tpu.memory_space<hbm>> -> memref<1x128xi32, #tpu.memory_space<hbm>>
          %dma_start3A_28 = tpu.memref_squeeze %dma_start3A_27 : memref<1x128xi32, #tpu.memory_space<hbm>> -> memref<128xi32, #tpu.memory_space<hbm>>
          %dma_start3A_29 = arith.constant 0 : i32
          %dma_start3A_30 = tpu.memref_slice %arg3[%add3A_20, %dma_start3A_29] : memref<2500x128xi32, #tpu.memory_space<hbm>> -> memref<1x128xi32, #tpu.memory_space<hbm>>
          %dma_start3A_31 = tpu.memref_squeeze %dma_start3A_30 : memref<1x128xi32, #tpu.memory_space<hbm>> -> memref<128xi32, #tpu.memory_space<hbm>>
          tpu.enqueue_dma source(%dma_start3A_31 : memref<128xi32, #tpu.memory_space<hbm>>) target(%arg6 : memref<128xi32, #tpu.memory_space<vmem>>) target_semaphore(%run_scoped3A : memref<!tpu.dma_semaphore, #tpu.memory_space<semaphore_mem>>)
          %dma_wait3A = arith.constant 0 : i32
          %dma_wait3A_32 = tpu.memref_slice %arg3[%add3A_20, %dma_wait3A] : memref<2500x128xi32, #tpu.memory_space<hbm>> -> memref<1x128xi32, #tpu.memory_space<hbm>>
          %dma_wait3A_33 = tpu.memref_squeeze %dma_wait3A_32 : memref<1x128xi32, #tpu.memory_space<hbm>> -> memref<128xi32, #tpu.memory_space<hbm>>
          %dma_wait3A_34 = arith.constant 0 : i32
          %dma_wait3A_35 = tpu.memref_slice %arg3[%add3A_20, %dma_wait3A_34] : memref<2500x128xi32, #tpu.memory_space<hbm>> -> memref<1x128xi32, #tpu.memory_space<hbm>>
          %dma_wait3A_36 = tpu.memref_squeeze %dma_wait3A_35 : memref<1x128xi32, #tpu.memory_space<hbm>> -> memref<128xi32, #tpu.memory_space<hbm>>
          tpu.wait_dma2 semaphore(%run_scoped3A : memref<!tpu.dma_semaphore, #tpu.memory_space<semaphore_mem>>) src(%dma_wait3A_36 : memref<128xi32, #tpu.memory_space<hbm>>) dst(%arg6 : memref<128xi32, #tpu.memory_space<vmem>>)
          tpu.yield
        }) : () -> ()
        %mul3A_25 = arith.constant 128 : i32
        %mul3A_26 = arith.muli %add3A_20, %mul3A_25 : i32
        "tpu.region"() ({
          %run_scoped3A = tpu.sem_alloc : memref<!tpu.dma_semaphore, #tpu.memory_space<semaphore_mem>>
          %dma_start3A = arith.constant 0 : i32
          %dma_start3A_27 = tpu.memref_slice %arg2[%mul3A_26, %dma_start3A] : memref<320000x128xf32, #tpu.memory_space<hbm>> -> memref<128x128xf32, #tpu.memory_space<hbm>>
          %dma_start3A_28 = arith.constant 0 : i32
          %dma_start3A_29 = tpu.memref_slice %arg2[%mul3A_26, %dma_start3A_28] : memref<320000x128xf32, #tpu.memory_space<hbm>> -> memref<128x128xf32, #tpu.memory_space<hbm>>
          tpu.enqueue_dma source(%dma_start3A_29 : memref<128x128xf32, #tpu.memory_space<hbm>>) target(%arg7 : memref<128x128xf32, #tpu.memory_space<vmem>>) target_semaphore(%run_scoped3A : memref<!tpu.dma_semaphore, #tpu.memory_space<semaphore_mem>>)
          %dma_wait3A = arith.constant 0 : i32
          %dma_wait3A_30 = tpu.memref_slice %arg2[%mul3A_26, %dma_wait3A] : memref<320000x128xf32, #tpu.memory_space<hbm>> -> memref<128x128xf32, #tpu.memory_space<hbm>>
          %dma_wait3A_31 = arith.constant 0 : i32
          %dma_wait3A_32 = tpu.memref_slice %arg2[%mul3A_26, %dma_wait3A_31] : memref<320000x128xf32, #tpu.memory_space<hbm>> -> memref<128x128xf32, #tpu.memory_space<hbm>>
          tpu.wait_dma2 semaphore(%run_scoped3A : memref<!tpu.dma_semaphore, #tpu.memory_space<semaphore_mem>>) src(%dma_wait3A_32 : memref<128x128xf32, #tpu.memory_space<hbm>>) dst(%arg7 : memref<128x128xf32, #tpu.memory_space<vmem>>)
          tpu.yield
        }) : () -> ()
        "tpu.region"() ({
          %run_scoped3A = tpu.sem_alloc : memref<!tpu.dma_semaphore, #tpu.memory_space<semaphore_mem>>
          %dma_start3A = arith.constant 0 : i32
          %dma_start3A_27 = arith.constant 0 : i32
          %dma_start3A_28 = tpu.memref_slice %arg8[%dma_start3A, %dma_start3A_27] : memref<10000x128xf32, #tpu.memory_space<vmem_shared>> -> memref<10000x128xf32, #tpu.memory_space<vmem_shared>>
          tpu.enqueue_indirect_dma source(%arg7 : memref<128x128xf32, #tpu.memory_space<vmem>>) target(%dma_start3A_28 : memref<10000x128xf32, #tpu.memory_space<vmem_shared>>) offsets(%arg6 : memref<128xi32, #tpu.memory_space<vmem>>) semaphore(%run_scoped3A : memref<!tpu.dma_semaphore, #tpu.memory_space<semaphore_mem>>) {add = true}
          %dma_wait3A = arith.constant 0 : i32
          %dma_wait3A_29 = arith.constant 0 : i32
          %dma_wait3A_30 = tpu.memref_slice %arg8[%dma_wait3A, %dma_wait3A_29] : memref<10000x128xf32, #tpu.memory_space<vmem_shared>> -> memref<10000x128xf32, #tpu.memory_space<vmem_shared>>
          tpu.wait_indirect_dma semaphore(%run_scoped3A : memref<!tpu.dma_semaphore, #tpu.memory_space<semaphore_mem>>) src(%arg7 : memref<128x128xf32, #tpu.memory_space<vmem>>) dst(%dma_wait3A_30 : memref<10000x128xf32, #tpu.memory_space<vmem_shared>>)
          tpu.yield
        }) : () -> ()
      } else {
      }
    }
    %scan3A_6 = arith.constant 79 : i32
    %barrier3A_7 = arith.constant 0 : index
    tpu.barrier barrier_id(%barrier3A_7)
    %eq3A_8 = arith.constant 0 : i32
    %eq3A_9 = arith.cmpi eq, %arg1, %eq3A_8 : i32
    %convert_element_type3A_10 = arith.extui %eq3A_9 : i1 to i32
    %cond3A_11 = arith.constant 0 : i32
    %cond3A_12 = arith.cmpi ne, %convert_element_type3A_10, %cond3A_11 : i32
    scf.if %cond3A_12 {
      "tpu.region"() ({
        %run_scoped3A = tpu.sem_alloc : memref<!tpu.dma_semaphore, #tpu.memory_space<semaphore_mem>>
        %dma_start3A = arith.constant 0 : i32
        %dma_start3A_13 = arith.constant 0 : i32
        %dma_start3A_14 = tpu.memref_slice %arg5[%arg0, %dma_start3A, %dma_start3A_13] : memref<2x10000x128xf32, #tpu.memory_space<hbm>> -> memref<1x10000x128xf32, #tpu.memory_space<hbm>>
        %dma_start3A_15 = tpu.memref_squeeze %dma_start3A_14 : memref<1x10000x128xf32, #tpu.memory_space<hbm>> -> memref<10000x128xf32, #tpu.memory_space<hbm>>
        tpu.enqueue_dma source(%arg8 : memref<10000x128xf32, #tpu.memory_space<vmem_shared>>) target(%dma_start3A_15 : memref<10000x128xf32, #tpu.memory_space<hbm>>) target_semaphore(%run_scoped3A : memref<!tpu.dma_semaphore, #tpu.memory_space<semaphore_mem>>)
        %dma_wait3A = arith.constant 0 : i32
        %dma_wait3A_16 = arith.constant 0 : i32
        %dma_wait3A_17 = tpu.memref_slice %arg5[%arg0, %dma_wait3A, %dma_wait3A_16] : memref<2x10000x128xf32, #tpu.memory_space<hbm>> -> memref<1x10000x128xf32, #tpu.memory_space<hbm>>
        %dma_wait3A_18 = tpu.memref_squeeze %dma_wait3A_17 : memref<1x10000x128xf32, #tpu.memory_space<hbm>> -> memref<10000x128xf32, #tpu.memory_space<hbm>>
        tpu.wait_dma2 semaphore(%run_scoped3A : memref<!tpu.dma_semaphore, #tpu.memory_space<semaphore_mem>>) src(%arg8 : memref<10000x128xf32, #tpu.memory_space<vmem_shared>>) dst(%dma_wait3A_18 : memref<10000x128xf32, #tpu.memory_space<hbm>>)
        tpu.yield
      }) : () -> ()
    } else {
    }
    return
  }
}

#map = affine_map<(d0, d1) -> (0, 0)>
module attributes {stable_mosaic.version = 14 : i64} {
  func.func @_sc_gather_body(%arg0: i32, %arg1: i32, %arg2: memref<10000x128xf32, #tpu.memory_space<hbm>>, %arg3: memref<2560x128xi32, #tpu.memory_space<hbm>>, %arg4: memref<2560x128xi32, #tpu.memory_space<hbm>>, %arg5: memref<327680x128xf32, #tpu.memory_space<hbm>>, %arg6: memref<327680x128xf32, #tpu.memory_space<hbm>>, %arg7: memref<1x128xi32, #tpu.memory_space<vmem>>, %arg8: memref<1x128xi32, #tpu.memory_space<vmem>>, %arg9: memref<128x128xf32, #tpu.memory_space<vmem>>, %arg10: memref<128x128xf32, #tpu.memory_space<vmem>>, %arg11: memref<10000x128xf32, #tpu.memory_space<vmem_shared>>, %arg12: memref<!tpu.dma_semaphore, #tpu.memory_space<semaphore_mem>>) attributes {dimension_semantics = [#tpu.dimension_semantics<core_parallel>, #tpu.dimension_semantics<subcore_parallel>], iteration_bounds = array<i64: 2, 16>, scalar_prefetch = 0 : i64, scratch_operands = 6 : i64, tpu.core_type = #tpu.core_type<sc_vector_subcore>, window_params = [{transform_indices = #map}, {transform_indices = #map}, {transform_indices = #map}, {transform_indices = #map}, {transform_indices = #map}]} {
    %mul3A = arith.constant 2 : i32
    %mul3A_0 = arith.muli %arg1, %mul3A : i32
    %add3A = arith.addi %mul3A_0, %arg0 : i32
    %mul3A_1 = arith.constant 80 : i32
    %mul3A_2 = arith.muli %add3A, %mul3A_1 : i32
    %eq3A = arith.constant 0 : i32
    %eq3A_3 = arith.cmpi eq, %arg1, %eq3A : i32
    %convert_element_type3A = arith.extui %eq3A_3 : i1 to i32
    %cond3A = arith.constant 0 : i32
    %cond3A_4 = arith.cmpi ne, %convert_element_type3A, %cond3A : i32
    scf.if %cond3A_4 {
      "tpu.region"() ({
        %run_scoped3A = tpu.sem_alloc : memref<!tpu.dma_semaphore, #tpu.memory_space<semaphore_mem>>
        tpu.enqueue_dma source(%arg2 : memref<10000x128xf32, #tpu.memory_space<hbm>>) target(%arg11 : memref<10000x128xf32, #tpu.memory_space<vmem_shared>>) target_semaphore(%run_scoped3A : memref<!tpu.dma_semaphore, #tpu.memory_space<semaphore_mem>>)
        tpu.wait_dma2 semaphore(%run_scoped3A : memref<!tpu.dma_semaphore, #tpu.memory_space<semaphore_mem>>) src(%arg2 : memref<10000x128xf32, #tpu.memory_space<hbm>>) dst(%arg11 : memref<10000x128xf32, #tpu.memory_space<vmem_shared>>)
        tpu.yield
      }) : () -> ()
    } else {
    }
    %barrier3A = arith.constant 0 : index
    tpu.barrier barrier_id(%barrier3A)
    %scan3A = arith.constant 0 : i32
    %scan3A_5 = arith.constant 80 : i32
    %scan3A_6 = arith.addi %scan3A, %scan3A_5 : i32
    %scan3A_7 = arith.constant 1 : i32
    scf.for %scan3A_9 = %scan3A to %scan3A_6 step %scan3A_7  : i32 {
      %mul3A_10 = arith.constant 1 : i32
      %mul3A_11 = arith.muli %scan3A_9, %mul3A_10 : i32
      %add3A_12 = arith.constant 0 : i32
      %add3A_13 = arith.addi %add3A_12, %mul3A_11 : i32
      %mul3A_14 = arith.constant 1 : i32
      %mul3A_15 = arith.muli %add3A_13, %mul3A_14 : i32
      %add3A_16 = arith.addi %mul3A_2, %mul3A_15 : i32
      "tpu.region"() ({
        %run_scoped3A = tpu.sem_alloc : memref<!tpu.dma_semaphore, #tpu.memory_space<semaphore_mem>>
        %dma_start3A_59 = arith.constant 0 : i32
        %dma_start3A_60 = tpu.memref_slice %arg3[%add3A_16, %dma_start3A_59] : memref<2560x128xi32, #tpu.memory_space<hbm>> -> memref<1x128xi32, #tpu.memory_space<hbm>>
        %dma_start3A_61 = arith.constant 0 : i32
        %dma_start3A_62 = tpu.memref_slice %arg3[%add3A_16, %dma_start3A_61] : memref<2560x128xi32, #tpu.memory_space<hbm>> -> memref<1x128xi32, #tpu.memory_space<hbm>>
        tpu.enqueue_dma source(%dma_start3A_62 : memref<1x128xi32, #tpu.memory_space<hbm>>) target(%arg7 : memref<1x128xi32, #tpu.memory_space<vmem>>) target_semaphore(%run_scoped3A : memref<!tpu.dma_semaphore, #tpu.memory_space<semaphore_mem>>)
        %dma_wait3A_63 = arith.constant 0 : i32
        %dma_wait3A_64 = tpu.memref_slice %arg3[%add3A_16, %dma_wait3A_63] : memref<2560x128xi32, #tpu.memory_space<hbm>> -> memref<1x128xi32, #tpu.memory_space<hbm>>
        %dma_wait3A_65 = arith.constant 0 : i32
        %dma_wait3A_66 = tpu.memref_slice %arg3[%add3A_16, %dma_wait3A_65] : memref<2560x128xi32, #tpu.memory_space<hbm>> -> memref<1x128xi32, #tpu.memory_space<hbm>>
        tpu.wait_dma2 semaphore(%run_scoped3A : memref<!tpu.dma_semaphore, #tpu.memory_space<semaphore_mem>>) src(%dma_wait3A_66 : memref<1x128xi32, #tpu.memory_space<hbm>>) dst(%arg7 : memref<1x128xi32, #tpu.memory_space<vmem>>)
        tpu.yield
      }) : () -> ()
      "tpu.region"() ({
        %run_scoped3A = tpu.sem_alloc : memref<!tpu.dma_semaphore, #tpu.memory_space<semaphore_mem>>
        %dma_start3A_59 = arith.constant 0 : i32
        %dma_start3A_60 = tpu.memref_slice %arg4[%add3A_16, %dma_start3A_59] : memref<2560x128xi32, #tpu.memory_space<hbm>> -> memref<1x128xi32, #tpu.memory_space<hbm>>
        %dma_start3A_61 = arith.constant 0 : i32
        %dma_start3A_62 = tpu.memref_slice %arg4[%add3A_16, %dma_start3A_61] : memref<2560x128xi32, #tpu.memory_space<hbm>> -> memref<1x128xi32, #tpu.memory_space<hbm>>
        tpu.enqueue_dma source(%dma_start3A_62 : memref<1x128xi32, #tpu.memory_space<hbm>>) target(%arg8 : memref<1x128xi32, #tpu.memory_space<vmem>>) target_semaphore(%run_scoped3A : memref<!tpu.dma_semaphore, #tpu.memory_space<semaphore_mem>>)
        %dma_wait3A_63 = arith.constant 0 : i32
        %dma_wait3A_64 = tpu.memref_slice %arg4[%add3A_16, %dma_wait3A_63] : memref<2560x128xi32, #tpu.memory_space<hbm>> -> memref<1x128xi32, #tpu.memory_space<hbm>>
        %dma_wait3A_65 = arith.constant 0 : i32
        %dma_wait3A_66 = tpu.memref_slice %arg4[%add3A_16, %dma_wait3A_65] : memref<2560x128xi32, #tpu.memory_space<hbm>> -> memref<1x128xi32, #tpu.memory_space<hbm>>
        tpu.wait_dma2 semaphore(%run_scoped3A : memref<!tpu.dma_semaphore, #tpu.memory_space<semaphore_mem>>) src(%dma_wait3A_66 : memref<1x128xi32, #tpu.memory_space<hbm>>) dst(%arg8 : memref<1x128xi32, #tpu.memory_space<vmem>>)
        tpu.yield
      }) : () -> ()
      %dma_start3A = arith.constant 0 : i32
      %dma_start3A_17 = arith.constant 0 : i32
      %dma_start3A_18 = arith.constant 0 : i32
      %dma_start3A_19 = tpu.memref_slice %arg10[%dma_start3A_17, %dma_start3A_18] : memref<128x128xf32, #tpu.memory_space<vmem>> -> memref<128x128xf32, #tpu.memory_space<vmem>>
      %dma_start3A_20 = arith.constant 0 : i32
      %dma_start3A_21 = tpu.memref_slice %arg7[%dma_start3A, %dma_start3A_20] : memref<1x128xi32, #tpu.memory_space<vmem>> -> memref<1x128xi32, #tpu.memory_space<vmem>>
      %dma_start3A_22 = tpu.memref_squeeze %dma_start3A_21 : memref<1x128xi32, #tpu.memory_space<vmem>> -> memref<128xi32, #tpu.memory_space<vmem>>
      %dma_start3A_23 = arith.constant 0 : i32
      %dma_start3A_24 = arith.constant 0 : i32
      %dma_start3A_25 = tpu.memref_slice %arg11[%dma_start3A_23, %dma_start3A_24] : memref<10000x128xf32, #tpu.memory_space<vmem_shared>> -> memref<10000x128xf32, #tpu.memory_space<vmem_shared>>
      tpu.enqueue_indirect_dma source(%dma_start3A_25 : memref<10000x128xf32, #tpu.memory_space<vmem_shared>>) target(%dma_start3A_19 : memref<128x128xf32, #tpu.memory_space<vmem>>) offsets(%dma_start3A_22 : memref<128xi32, #tpu.memory_space<vmem>>) semaphore(%arg12 : memref<!tpu.dma_semaphore, #tpu.memory_space<semaphore_mem>>)
      %dma_start3A_26 = arith.constant 0 : i32
      %dma_start3A_27 = arith.constant 0 : i32
      %dma_start3A_28 = arith.constant 0 : i32
      %dma_start3A_29 = tpu.memref_slice %arg9[%dma_start3A_27, %dma_start3A_28] : memref<128x128xf32, #tpu.memory_space<vmem>> -> memref<128x128xf32, #tpu.memory_space<vmem>>
      %dma_start3A_30 = arith.constant 0 : i32
      %dma_start3A_31 = tpu.memref_slice %arg8[%dma_start3A_26, %dma_start3A_30] : memref<1x128xi32, #tpu.memory_space<vmem>> -> memref<1x128xi32, #tpu.memory_space<vmem>>
      %dma_start3A_32 = tpu.memref_squeeze %dma_start3A_31 : memref<1x128xi32, #tpu.memory_space<vmem>> -> memref<128xi32, #tpu.memory_space<vmem>>
      %dma_start3A_33 = arith.constant 0 : i32
      %dma_start3A_34 = arith.constant 0 : i32
      %dma_start3A_35 = tpu.memref_slice %arg11[%dma_start3A_33, %dma_start3A_34] : memref<10000x128xf32, #tpu.memory_space<vmem_shared>> -> memref<10000x128xf32, #tpu.memory_space<vmem_shared>>
      tpu.enqueue_indirect_dma source(%dma_start3A_35 : memref<10000x128xf32, #tpu.memory_space<vmem_shared>>) target(%dma_start3A_29 : memref<128x128xf32, #tpu.memory_space<vmem>>) offsets(%dma_start3A_32 : memref<128xi32, #tpu.memory_space<vmem>>) semaphore(%arg12 : memref<!tpu.dma_semaphore, #tpu.memory_space<semaphore_mem>>)
      %dma_wait3A = arith.constant 0 : i32
      %dma_wait3A_36 = arith.constant 0 : i32
      %dma_wait3A_37 = arith.constant 0 : i32
      %dma_wait3A_38 = tpu.memref_slice %arg10[%dma_wait3A_36, %dma_wait3A_37] : memref<128x128xf32, #tpu.memory_space<vmem>> -> memref<128x128xf32, #tpu.memory_space<vmem>>
      %dma_wait3A_39 = arith.constant 0 : i32
      %dma_wait3A_40 = tpu.memref_slice %arg7[%dma_wait3A, %dma_wait3A_39] : memref<1x128xi32, #tpu.memory_space<vmem>> -> memref<1x128xi32, #tpu.memory_space<vmem>>
      %dma_wait3A_41 = tpu.memref_squeeze %dma_wait3A_40 : memref<1x128xi32, #tpu.memory_space<vmem>> -> memref<128xi32, #tpu.memory_space<vmem>>
      %dma_wait3A_42 = arith.constant 0 : i32
      %dma_wait3A_43 = arith.constant 0 : i32
      %dma_wait3A_44 = tpu.memref_slice %arg11[%dma_wait3A_42, %dma_wait3A_43] : memref<10000x128xf32, #tpu.memory_space<vmem_shared>> -> memref<10000x128xf32, #tpu.memory_space<vmem_shared>>
      tpu.wait_indirect_dma semaphore(%arg12 : memref<!tpu.dma_semaphore, #tpu.memory_space<semaphore_mem>>) src(%dma_wait3A_44 : memref<10000x128xf32, #tpu.memory_space<vmem_shared>>) dst(%dma_wait3A_38 : memref<128x128xf32, #tpu.memory_space<vmem>>)
      %dma_wait3A_45 = arith.constant 0 : i32
      %dma_wait3A_46 = arith.constant 0 : i32
      %dma_wait3A_47 = arith.constant 0 : i32
      %dma_wait3A_48 = tpu.memref_slice %arg9[%dma_wait3A_46, %dma_wait3A_47] : memref<128x128xf32, #tpu.memory_space<vmem>> -> memref<128x128xf32, #tpu.memory_space<vmem>>
      %dma_wait3A_49 = arith.constant 0 : i32
      %dma_wait3A_50 = tpu.memref_slice %arg8[%dma_wait3A_45, %dma_wait3A_49] : memref<1x128xi32, #tpu.memory_space<vmem>> -> memref<1x128xi32, #tpu.memory_space<vmem>>
      %dma_wait3A_51 = tpu.memref_squeeze %dma_wait3A_50 : memref<1x128xi32, #tpu.memory_space<vmem>> -> memref<128xi32, #tpu.memory_space<vmem>>
      %dma_wait3A_52 = arith.constant 0 : i32
      %dma_wait3A_53 = arith.constant 0 : i32
      %dma_wait3A_54 = tpu.memref_slice %arg11[%dma_wait3A_52, %dma_wait3A_53] : memref<10000x128xf32, #tpu.memory_space<vmem_shared>> -> memref<10000x128xf32, #tpu.memory_space<vmem_shared>>
      tpu.wait_indirect_dma semaphore(%arg12 : memref<!tpu.dma_semaphore, #tpu.memory_space<semaphore_mem>>) src(%dma_wait3A_54 : memref<10000x128xf32, #tpu.memory_space<vmem_shared>>) dst(%dma_wait3A_48 : memref<128x128xf32, #tpu.memory_space<vmem>>)
      %mul3A_55 = arith.constant 128 : i32
      %mul3A_56 = arith.muli %add3A_16, %mul3A_55 : i32
      "tpu.region"() ({
        %run_scoped3A = tpu.sem_alloc : memref<!tpu.dma_semaphore, #tpu.memory_space<semaphore_mem>>
        %dma_start3A_59 = arith.constant 0 : i32
        %dma_start3A_60 = tpu.memref_slice %arg6[%mul3A_56, %dma_start3A_59] : memref<327680x128xf32, #tpu.memory_space<hbm>> -> memref<128x128xf32, #tpu.memory_space<hbm>>
        %dma_start3A_61 = arith.constant 0 : i32
        %dma_start3A_62 = tpu.memref_slice %arg6[%mul3A_56, %dma_start3A_61] : memref<327680x128xf32, #tpu.memory_space<hbm>> -> memref<128x128xf32, #tpu.memory_space<hbm>>
        tpu.enqueue_dma source(%arg10 : memref<128x128xf32, #tpu.memory_space<vmem>>) target(%dma_start3A_62 : memref<128x128xf32, #tpu.memory_space<hbm>>) target_semaphore(%run_scoped3A : memref<!tpu.dma_semaphore, #tpu.memory_space<semaphore_mem>>)
        %dma_wait3A_63 = arith.constant 0 : i32
        %dma_wait3A_64 = tpu.memref_slice %arg6[%mul3A_56, %dma_wait3A_63] : memref<327680x128xf32, #tpu.memory_space<hbm>> -> memref<128x128xf32, #tpu.memory_space<hbm>>
        %dma_wait3A_65 = arith.constant 0 : i32
        %dma_wait3A_66 = tpu.memref_slice %arg6[%mul3A_56, %dma_wait3A_65] : memref<327680x128xf32, #tpu.memory_space<hbm>> -> memref<128x128xf32, #tpu.memory_space<hbm>>
        tpu.wait_dma2 semaphore(%run_scoped3A : memref<!tpu.dma_semaphore, #tpu.memory_space<semaphore_mem>>) src(%arg10 : memref<128x128xf32, #tpu.memory_space<vmem>>) dst(%dma_wait3A_66 : memref<128x128xf32, #tpu.memory_space<hbm>>)
        tpu.yield
      }) : () -> ()
      %mul3A_57 = arith.constant 128 : i32
      %mul3A_58 = arith.muli %add3A_16, %mul3A_57 : i32
      "tpu.region"() ({
        %run_scoped3A = tpu.sem_alloc : memref<!tpu.dma_semaphore, #tpu.memory_space<semaphore_mem>>
        %dma_start3A_59 = arith.constant 0 : i32
        %dma_start3A_60 = tpu.memref_slice %arg5[%mul3A_58, %dma_start3A_59] : memref<327680x128xf32, #tpu.memory_space<hbm>> -> memref<128x128xf32, #tpu.memory_space<hbm>>
        %dma_start3A_61 = arith.constant 0 : i32
        %dma_start3A_62 = tpu.memref_slice %arg5[%mul3A_58, %dma_start3A_61] : memref<327680x128xf32, #tpu.memory_space<hbm>> -> memref<128x128xf32, #tpu.memory_space<hbm>>
        tpu.enqueue_dma source(%arg9 : memref<128x128xf32, #tpu.memory_space<vmem>>) target(%dma_start3A_62 : memref<128x128xf32, #tpu.memory_space<hbm>>) target_semaphore(%run_scoped3A : memref<!tpu.dma_semaphore, #tpu.memory_space<semaphore_mem>>)
        %dma_wait3A_63 = arith.constant 0 : i32
        %dma_wait3A_64 = tpu.memref_slice %arg5[%mul3A_58, %dma_wait3A_63] : memref<327680x128xf32, #tpu.memory_space<hbm>> -> memref<128x128xf32, #tpu.memory_space<hbm>>
        %dma_wait3A_65 = arith.constant 0 : i32
        %dma_wait3A_66 = tpu.memref_slice %arg5[%mul3A_58, %dma_wait3A_65] : memref<327680x128xf32, #tpu.memory_space<hbm>> -> memref<128x128xf32, #tpu.memory_space<hbm>>
        tpu.wait_dma2 semaphore(%run_scoped3A : memref<!tpu.dma_semaphore, #tpu.memory_space<semaphore_mem>>) src(%arg9 : memref<128x128xf32, #tpu.memory_space<vmem>>) dst(%dma_wait3A_66 : memref<128x128xf32, #tpu.memory_space<hbm>>)
        tpu.yield
      }) : () -> ()
    }
    %scan3A_8 = arith.constant 80 : i32
    return
  }
}

module attributes {stable_mosaic.version = 14 : i64} {
  func.func @_stats_body(%arg0: i32, %arg1: memref<2560x128xf32, #tpu.memory_space<vmem>>, %arg2: memref<2560x128xf32, #tpu.memory_space<vmem>>, %arg3: memref<4x128xf32, #tpu.memory_space<vmem>>) attributes {dimension_semantics = [#tpu.dimension_semantics<arbitrary>], iteration_bounds = array<i64: 125>, scalar_prefetch = 0 : i64, scratch_operands = 0 : i64, tpu.core_type = #tpu.core_type<tc>, window_params = [{transform_indices = @transform_0, window_bounds = array<i64: 2560, 128>}, {transform_indices = @transform_1, window_bounds = array<i64: 2560, 128>}, {pipeline_mode = #tpu.pipeline_mode<synchronous>, transform_indices = @transform_2, window_bounds = array<i64: 4, 128>}]} {
    %get3A = arith.constant 0 : index
    %get3A_0 = arith.constant 0 : index
    %get3A_1 = vector.load %arg1[%get3A, %get3A_0] : memref<2560x128xf32, #tpu.memory_space<vmem>>, vector<2560x128xf32>
    %get3A_2 = arith.constant 0 : index
    %get3A_3 = arith.constant 0 : index
    %get3A_4 = vector.load %arg2[%get3A_2, %get3A_3] : memref<2560x128xf32, #tpu.memory_space<vmem>>, vector<2560x128xf32>
    %sub3A = arith.subf %get3A_4, %get3A_1 : vector<2560x128xf32>
    %reduce_sum3A = arith.constant dense<0.000000e+00> : vector<128xf32>
    %reduce_sum3A_5 = vector.multi_reduction <add>, %get3A_1, %reduce_sum3A [0] : vector<2560x128xf32> to vector<128xf32>
    %broadcast_in_dim3A = vector.shape_cast %reduce_sum3A_5 : vector<128xf32> to vector<1x128xf32>
    %mul3A = arith.mulf %get3A_1, %get3A_1 : vector<2560x128xf32>
    %reduce_sum3A_6 = arith.constant dense<0.000000e+00> : vector<128xf32>
    %reduce_sum3A_7 = vector.multi_reduction <add>, %mul3A, %reduce_sum3A_6 [0] : vector<2560x128xf32> to vector<128xf32>
    %broadcast_in_dim3A_8 = vector.shape_cast %reduce_sum3A_7 : vector<128xf32> to vector<1x128xf32>
    %reduce_sum3A_9 = arith.constant dense<0.000000e+00> : vector<128xf32>
    %reduce_sum3A_10 = vector.multi_reduction <add>, %sub3A, %reduce_sum3A_9 [0] : vector<2560x128xf32> to vector<128xf32>
    %broadcast_in_dim3A_11 = vector.shape_cast %reduce_sum3A_10 : vector<128xf32> to vector<1x128xf32>
    %mul3A_12 = arith.mulf %sub3A, %sub3A : vector<2560x128xf32>
    %reduce_sum3A_13 = arith.constant dense<0.000000e+00> : vector<128xf32>
    %reduce_sum3A_14 = vector.multi_reduction <add>, %mul3A_12, %reduce_sum3A_13 [0] : vector<2560x128xf32> to vector<128xf32>
    %broadcast_in_dim3A_15 = vector.shape_cast %reduce_sum3A_14 : vector<128xf32> to vector<1x128xf32>
    %concatenate3A = tpu.concatenate %broadcast_in_dim3A, %broadcast_in_dim3A_8, %broadcast_in_dim3A_11, %broadcast_in_dim3A_15 in 0 : vector<1x128xf32>, vector<1x128xf32>, vector<1x128xf32>, vector<1x128xf32> -> vector<4x128xf32>
    %eq3A = arith.constant 0 : i32
    %eq3A_16 = arith.cmpi eq, %arg0, %eq3A : i32
    %convert_element_type3A = arith.extui %eq3A_16 : i1 to i32
    %cond3A = arith.constant 0 : i32
    %cond3A_17 = arith.cmpi ne, %convert_element_type3A, %cond3A : i32
    scf.if %cond3A_17 {
      %swap3A = arith.constant 0 : index
      %swap3A_22 = arith.constant 0 : index
      %swap3A_23 = vector.load %arg3[%swap3A, %swap3A_22] : memref<4x128xf32, #tpu.memory_space<vmem>>, vector<4x128xf32>
      tpu.vector_store %arg3[%swap3A, %swap3A_22], %concatenate3A {strides = array<i32>} : memref<4x128xf32, #tpu.memory_space<vmem>>, vector<4x128xf32>,
    } else {
    }
    %gt3A = arith.constant 0 : i32
    %gt3A_18 = arith.cmpi sgt, %arg0, %gt3A : i32
    %convert_element_type3A_19 = arith.extui %gt3A_18 : i1 to i32
    %cond3A_20 = arith.constant 0 : i32
    %cond3A_21 = arith.cmpi ne, %convert_element_type3A_19, %cond3A_20 : i32
    scf.if %cond3A_21 {
      %get3A_22 = arith.constant 0 : index
      %get3A_23 = arith.constant 0 : index
      %get3A_24 = vector.load %arg3[%get3A_22, %get3A_23] : memref<4x128xf32, #tpu.memory_space<vmem>>, vector<4x128xf32>
      %add3A = arith.addf %get3A_24, %concatenate3A : vector<4x128xf32>
      %swap3A = arith.constant 0 : index
      %swap3A_25 = arith.constant 0 : index
      %swap3A_26 = vector.load %arg3[%swap3A, %swap3A_25] : memref<4x128xf32, #tpu.memory_space<vmem>>, vector<4x128xf32>
      tpu.vector_store %arg3[%swap3A, %swap3A_25], %add3A {strides = array<i32>} : memref<4x128xf32, #tpu.memory_space<vmem>>, vector<4x128xf32>,
    } else {
    }
    return
  }
  func.func @transform_0(%arg0: i32) -> (i32, i32) {
    %c0_i32 = arith.constant 0 : i32
    %c0_i32_0 = arith.constant 0 : i32
    return %arg0, %c0_i32 : i32, i32
  }
  func.func @transform_1(%arg0: i32) -> (i32, i32) {
    %c0_i32 = arith.constant 0 : i32
    %c0_i32_0 = arith.constant 0 : i32
    return %arg0, %c0_i32 : i32, i32
  }
  func.func @transform_2(%arg0: i32) -> (i32, i32) {
    %c0_i32 = arith.constant 0 : i32
    %c0_i32_0 = arith.constant 0 : i32
    %c0_i32_1 = arith.constant 0 : i32
    return %c0_i32, %c0_i32_0 : i32, i32
  }
}

module attributes {stable_mosaic.version = 14 : i64} {
  func.func @_mlp1_body(%arg0: i32, %arg1: memref<2560x128xf32, #tpu.memory_space<vmem>>, %arg2: memref<2560x128xf32, #tpu.memory_space<vmem>>, %arg3: memref<4x128xf32, #tpu.memory_space<vmem>>, %arg4: memref<256x64xf32, #tpu.memory_space<vmem>>, %arg5: memref<1280x128xf32, #tpu.memory_space<vmem>>, %arg6: memref<2x64xf32, #tpu.memory_space<vmem>>) attributes {dimension_semantics = [#tpu.dimension_semantics<arbitrary>], iteration_bounds = array<i64: 125>, scalar_prefetch = 0 : i64, scratch_operands = 0 : i64, tpu.core_type = #tpu.core_type<tc>, window_params = [{transform_indices = @transform_0, window_bounds = array<i64: 2560, 128>}, {transform_indices = @transform_1, window_bounds = array<i64: 2560, 128>}, {pipeline_mode = #tpu.pipeline_mode<synchronous>, transform_indices = @transform_2, window_bounds = array<i64: 4, 128>}, {pipeline_mode = #tpu.pipeline_mode<synchronous>, transform_indices = @transform_3, window_bounds = array<i64: 256, 64>}, {transform_indices = @transform_4, window_bounds = array<i64: 1280, 128>}, {pipeline_mode = #tpu.pipeline_mode<synchronous>, transform_indices = @transform_5, window_bounds = array<i64: 2, 64>}]} {
    %get3A = arith.constant 0 : index
    %get3A_0 = arith.constant 0 : index
    %get3A_1 = vector.load %arg1[%get3A, %get3A_0] : memref<2560x128xf32, #tpu.memory_space<vmem>>, vector<2560x128xf32>
    %get3A_2 = arith.constant 0 : index
    %get3A_3 = arith.constant 0 : index
    %get3A_4 = vector.load %arg2[%get3A_2, %get3A_3] : memref<2560x128xf32, #tpu.memory_space<vmem>>, vector<2560x128xf32>
    %sub3A = arith.subf %get3A_4, %get3A_1 : vector<2560x128xf32>
    %get3A_5 = arith.constant 0 : index
    %get3A_6 = arith.constant 0 : index
    %get3A_7 = vector.load %arg3[%get3A_5, %get3A_6] : memref<4x128xf32, #tpu.memory_space<vmem>>, vector<1x128xf32>
    %mul3A = vector.broadcast %get3A_7 : vector<1x128xf32> to vector<2560x128xf32>
    %mul3A_8 = arith.mulf %get3A_1, %mul3A : vector<2560x128xf32>
    %get3A_9 = arith.constant 2 : index
    %get3A_10 = arith.constant 0 : index
    %get3A_11 = vector.load %arg3[%get3A_9, %get3A_10] : memref<4x128xf32, #tpu.memory_space<vmem>>, vector<1x128xf32>
    %add3A = vector.broadcast %get3A_11 : vector<1x128xf32> to vector<2560x128xf32>
    %add3A_12 = arith.addf %mul3A_8, %add3A : vector<2560x128xf32>
    %mul3A_13 = arith.constant 2.000000e-01 : f32
    %mul3A_14 = vector.broadcast %mul3A_13 : f32 to vector<2560x128xf32>
    %mul3A_15 = arith.mulf %mul3A_14, %add3A_12 : vector<2560x128xf32>
    %max3A = arith.maximumf %add3A_12, %mul3A_15 : vector<2560x128xf32>
    %get3A_16 = arith.constant 1 : index
    %get3A_17 = arith.constant 0 : index
    %get3A_18 = vector.load %arg3[%get3A_16, %get3A_17] : memref<4x128xf32, #tpu.memory_space<vmem>>, vector<1x128xf32>
    %mul3A_19 = vector.broadcast %get3A_18 : vector<1x128xf32> to vector<2560x128xf32>
    %mul3A_20 = arith.mulf %sub3A, %mul3A_19 : vector<2560x128xf32>
    %get3A_21 = arith.constant 3 : index
    %get3A_22 = arith.constant 0 : index
    %get3A_23 = vector.load %arg3[%get3A_21, %get3A_22] : memref<4x128xf32, #tpu.memory_space<vmem>>, vector<1x128xf32>
    %add3A_24 = vector.broadcast %get3A_23 : vector<1x128xf32> to vector<2560x128xf32>
    %add3A_25 = arith.addf %mul3A_20, %add3A_24 : vector<2560x128xf32>
    %mul3A_26 = arith.constant 2.000000e-01 : f32
    %mul3A_27 = vector.broadcast %mul3A_26 : f32 to vector<2560x128xf32>
    %mul3A_28 = arith.mulf %mul3A_27, %add3A_25 : vector<2560x128xf32>
    %max3A_29 = arith.maximumf %add3A_25, %mul3A_28 : vector<2560x128xf32>
    %get3A_30 = arith.constant 0 : index
    %get3A_31 = arith.constant 0 : index
    %get3A_32 = vector.load %arg4[%get3A_30, %get3A_31] : memref<256x64xf32, #tpu.memory_space<vmem>>, vector<256x64xf32>
    %convert_element_type3A = arith.truncf %get3A_32 : vector<256x64xf32> to vector<256x64xbf16>
    %convert_element_type3A_33 = arith.truncf %max3A : vector<2560x128xf32> to vector<2560x128xbf16>
    %slice3A = vector.extract_strided_slice %convert_element_type3A {offsets = [0, 0], sizes = [128, 64], strides = [1, 1]} : vector<256x64xbf16> to vector<128x64xbf16>
    %dot_general3A = arith.constant dense<0.000000e+00> : vector<2560x64xf32>
    %dot_general3A_34 = tpu.matmul %convert_element_type3A_33, %slice3A, %dot_general3A {dimension_numbers = #tpu.dot_dimension_numbers<[1], [0], [0], [1], [0, 0, 1, 1], [], []>, transpose_lhs_hint = false} : vector<2560x128xbf16>, vector<128x64xbf16>, vector<2560x64xf32> -> vector<2560x64xf32>
    %convert_element_type3A_35 = arith.truncf %max3A_29 : vector<2560x128xf32> to vector<2560x128xbf16>
    %slice3A_36 = vector.extract_strided_slice %convert_element_type3A {offsets = [128, 0], sizes = [128, 64], strides = [1, 1]} : vector<256x64xbf16> to vector<128x64xbf16>
    %dot_general3A_37 = arith.constant dense<0.000000e+00> : vector<2560x64xf32>
    %dot_general3A_38 = tpu.matmul %convert_element_type3A_35, %slice3A_36, %dot_general3A_37 {dimension_numbers = #tpu.dot_dimension_numbers<[1], [0], [0], [1], [0, 0, 1, 1], [], []>, transpose_lhs_hint = false} : vector<2560x128xbf16>, vector<128x64xbf16>, vector<2560x64xf32> -> vector<2560x64xf32>
    %add3A_39 = arith.addf %dot_general3A_34, %dot_general3A_38 : vector<2560x64xf32>
    %slice3A_40 = vector.extract_strided_slice %add3A_39 {offsets = [0, 0], sizes = [1280, 64], strides = [1, 1]} : vector<2560x64xf32> to vector<1280x64xf32>
    %slice3A_41 = vector.extract_strided_slice %add3A_39 {offsets = [1280, 0], sizes = [1280, 64], strides = [1, 1]} : vector<2560x64xf32> to vector<1280x64xf32>
    %concatenate3A = tpu.concatenate %slice3A_40, %slice3A_41 in 1 : vector<1280x64xf32>, vector<1280x64xf32> -> vector<1280x128xf32>
    %swap3A = arith.constant 0 : index
    %swap3A_42 = arith.constant 0 : index
    %swap3A_43 = vector.load %arg5[%swap3A, %swap3A_42] : memref<1280x128xf32, #tpu.memory_space<vmem>>, vector<1280x128xf32>
    tpu.vector_store %arg5[%swap3A, %swap3A_42], %concatenate3A {strides = array<i32>} : memref<1280x128xf32, #tpu.memory_space<vmem>>, vector<1280x128xf32>,
    %reduce_sum3A = arith.constant dense<0.000000e+00> : vector<64xf32>
    %reduce_sum3A_44 = vector.multi_reduction <add>, %add3A_39, %reduce_sum3A [0] : vector<2560x64xf32> to vector<64xf32>
    %broadcast_in_dim3A = vector.shape_cast %reduce_sum3A_44 : vector<64xf32> to vector<1x64xf32>
    %mul3A_45 = arith.mulf %add3A_39, %add3A_39 : vector<2560x64xf32>
    %reduce_sum3A_46 = arith.constant dense<0.000000e+00> : vector<64xf32>
    %reduce_sum3A_47 = vector.multi_reduction <add>, %mul3A_45, %reduce_sum3A_46 [0] : vector<2560x64xf32> to vector<64xf32>
    %broadcast_in_dim3A_48 = vector.shape_cast %reduce_sum3A_47 : vector<64xf32> to vector<1x64xf32>
    %concatenate3A_49 = tpu.concatenate %broadcast_in_dim3A, %broadcast_in_dim3A_48 in 0 : vector<1x64xf32>, vector<1x64xf32> -> vector<2x64xf32>
    %eq3A = arith.constant 0 : i32
    %eq3A_50 = arith.cmpi eq, %arg0, %eq3A : i32
    %convert_element_type3A_51 = arith.extui %eq3A_50 : i1 to i32
    %cond3A = arith.constant 0 : i32
    %cond3A_52 = arith.cmpi ne, %convert_element_type3A_51, %cond3A : i32
    scf.if %cond3A_52 {
      %swap3A_57 = arith.constant 0 : index
      %swap3A_58 = arith.constant 0 : index
      %swap3A_59 = vector.load %arg6[%swap3A_57, %swap3A_58] : memref<2x64xf32, #tpu.memory_space<vmem>>, vector<2x64xf32>
      tpu.vector_store %arg6[%swap3A_57, %swap3A_58], %concatenate3A_49 {strides = array<i32>} : memref<2x64xf32, #tpu.memory_space<vmem>>, vector<2x64xf32>,
    } else {
    }
    %gt3A = arith.constant 0 : i32
    %gt3A_53 = arith.cmpi sgt, %arg0, %gt3A : i32
    %convert_element_type3A_54 = arith.extui %gt3A_53 : i1 to i32
    %cond3A_55 = arith.constant 0 : i32
    %cond3A_56 = arith.cmpi ne, %convert_element_type3A_54, %cond3A_55 : i32
    scf.if %cond3A_56 {
      %get3A_57 = arith.constant 0 : index
      %get3A_58 = arith.constant 0 : index
      %get3A_59 = vector.load %arg6[%get3A_57, %get3A_58] : memref<2x64xf32, #tpu.memory_space<vmem>>, vector<2x64xf32>
      %add3A_60 = arith.addf %get3A_59, %concatenate3A_49 : vector<2x64xf32>
      %swap3A_61 = arith.constant 0 : index
      %swap3A_62 = arith.constant 0 : index
      %swap3A_63 = vector.load %arg6[%swap3A_61, %swap3A_62] : memref<2x64xf32, #tpu.memory_space<vmem>>, vector<2x64xf32>
      tpu.vector_store %arg6[%swap3A_61, %swap3A_62], %add3A_60 {strides = array<i32>} : memref<2x64xf32, #tpu.memory_space<vmem>>, vector<2x64xf32>,
    } else {
    }
    return
  }
  func.func @transform_0(%arg0: i32) -> (i32, i32) {
    %c0_i32 = arith.constant 0 : i32
    %c0_i32_0 = arith.constant 0 : i32
    return %arg0, %c0_i32 : i32, i32
  }
  func.func @transform_1(%arg0: i32) -> (i32, i32) {
    %c0_i32 = arith.constant 0 : i32
    %c0_i32_0 = arith.constant 0 : i32
    return %arg0, %c0_i32 : i32, i32
  }
  func.func @transform_2(%arg0: i32) -> (i32, i32) {
    %c0_i32 = arith.constant 0 : i32
    %c0_i32_0 = arith.constant 0 : i32
    %c0_i32_1 = arith.constant 0 : i32
    return %c0_i32, %c0_i32_0 : i32, i32
  }
  func.func @transform_3(%arg0: i32) -> (i32, i32) {
    %c0_i32 = arith.constant 0 : i32
    %c0_i32_0 = arith.constant 0 : i32
    %c0_i32_1 = arith.constant 0 : i32
    return %c0_i32, %c0_i32_0 : i32, i32
  }
  func.func @transform_4(%arg0: i32) -> (i32, i32) {
    %c0_i32 = arith.constant 0 : i32
    %c0_i32_0 = arith.constant 0 : i32
    return %arg0, %c0_i32 : i32, i32
  }
  func.func @transform_5(%arg0: i32) -> (i32, i32) {
    %c0_i32 = arith.constant 0 : i32
    %c0_i32_0 = arith.constant 0 : i32
    %c0_i32_1 = arith.constant 0 : i32
    return %c0_i32, %c0_i32_0 : i32, i32
  }
}

module attributes {stable_mosaic.version = 14 : i64} {
  func.func @_mlp2_body(%arg0: i32, %arg1: memref<1280x128xf32, #tpu.memory_space<vmem>>, %arg2: memref<1x128x20xf32, #tpu.memory_space<vmem>>, %arg3: memref<2x64xf32, #tpu.memory_space<vmem>>, %arg4: memref<64x64xf32, #tpu.memory_space<vmem>>, %arg5: memref<2560x128xf32, #tpu.memory_space<vmem>>) attributes {dimension_semantics = [#tpu.dimension_semantics<arbitrary>], iteration_bounds = array<i64: 125>, scalar_prefetch = 0 : i64, scratch_operands = 0 : i64, tpu.core_type = #tpu.core_type<tc>, window_params = [{transform_indices = @transform_0, window_bounds = array<i64: 1280, 128>}, {transform_indices = @transform_1, window_bounds = array<i64: 1, 128, 20>}, {pipeline_mode = #tpu.pipeline_mode<synchronous>, transform_indices = @transform_2, window_bounds = array<i64: 2, 64>}, {pipeline_mode = #tpu.pipeline_mode<synchronous>, transform_indices = @transform_3, window_bounds = array<i64: 64, 64>}, {transform_indices = @transform_4, window_bounds = array<i64: 2560, 128>}]} {
    %get3A = arith.constant 0 : index
    %get3A_0 = arith.constant 0 : index
    %get3A_1 = vector.load %arg1[%get3A, %get3A_0] : memref<1280x128xf32, #tpu.memory_space<vmem>>, vector<1280x128xf32>
    %slice3A = vector.extract_strided_slice %get3A_1 {offsets = [0, 0], sizes = [1280, 64], strides = [1, 1]} : vector<1280x128xf32> to vector<1280x64xf32>
    %slice3A_2 = vector.extract_strided_slice %get3A_1 {offsets = [0, 64], sizes = [1280, 64], strides = [1, 1]} : vector<1280x128xf32> to vector<1280x64xf32>
    %get3A_3 = arith.constant 0 : index
    %get3A_4 = arith.constant 0 : index
    %get3A_5 = vector.load %arg3[%get3A_3, %get3A_4] : memref<2x64xf32, #tpu.memory_space<vmem>>, vector<1x64xf32>
    %mul3A = vector.broadcast %get3A_5 : vector<1x64xf32> to vector<1280x64xf32>
    %mul3A_6 = arith.mulf %slice3A, %mul3A : vector<1280x64xf32>
    %get3A_7 = arith.constant 1 : index
    %get3A_8 = arith.constant 0 : index
    %get3A_9 = vector.load %arg3[%get3A_7, %get3A_8] : memref<2x64xf32, #tpu.memory_space<vmem>>, vector<1x64xf32>
    %add3A = vector.broadcast %get3A_9 : vector<1x64xf32> to vector<1280x64xf32>
    %add3A_10 = arith.addf %mul3A_6, %add3A : vector<1280x64xf32>
    %mul3A_11 = arith.constant 2.000000e-01 : f32
    %mul3A_12 = vector.broadcast %mul3A_11 : f32 to vector<1280x64xf32>
    %mul3A_13 = arith.mulf %mul3A_12, %add3A_10 : vector<1280x64xf32>
    %max3A = arith.maximumf %add3A_10, %mul3A_13 : vector<1280x64xf32>
    %get3A_14 = arith.constant 0 : index
    %get3A_15 = arith.constant 0 : index
    %get3A_16 = vector.load %arg3[%get3A_14, %get3A_15] : memref<2x64xf32, #tpu.memory_space<vmem>>, vector<1x64xf32>
    %mul3A_17 = vector.broadcast %get3A_16 : vector<1x64xf32> to vector<1280x64xf32>
    %mul3A_18 = arith.mulf %slice3A_2, %mul3A_17 : vector<1280x64xf32>
    %get3A_19 = arith.constant 1 : index
    %get3A_20 = arith.constant 0 : index
    %get3A_21 = vector.load %arg3[%get3A_19, %get3A_20] : memref<2x64xf32, #tpu.memory_space<vmem>>, vector<1x64xf32>
    %add3A_22 = vector.broadcast %get3A_21 : vector<1x64xf32> to vector<1280x64xf32>
    %add3A_23 = arith.addf %mul3A_18, %add3A_22 : vector<1280x64xf32>
    %mul3A_24 = arith.constant 2.000000e-01 : f32
    %mul3A_25 = vector.broadcast %mul3A_24 : f32 to vector<1280x64xf32>
    %mul3A_26 = arith.mulf %mul3A_25, %add3A_23 : vector<1280x64xf32>
    %max3A_27 = arith.maximumf %add3A_23, %mul3A_26 : vector<1280x64xf32>
    %get3A_28 = arith.constant 0 : index
    %get3A_29 = arith.constant 0 : index
    %get3A_30 = vector.load %arg4[%get3A_28, %get3A_29] : memref<64x64xf32, #tpu.memory_space<vmem>>, vector<64x64xf32>
    %dot_general3A = arith.constant dense<0.000000e+00> : vector<1280x64xf32>
    %dot_general3A_31 = tpu.matmul %max3A, %get3A_30, %dot_general3A {dimension_numbers = #tpu.dot_dimension_numbers<[1], [0], [0], [1], [0, 0, 1, 1], [], []>, precision = #tpu.contract_precision<fp32>, transpose_lhs_hint = false} : vector<1280x64xf32>, vector<64x64xf32>, vector<1280x64xf32> -> vector<1280x64xf32>
    %get3A_32 = arith.constant 0 : index
    %get3A_33 = arith.constant 0 : index
    %get3A_34 = vector.load %arg4[%get3A_32, %get3A_33] : memref<64x64xf32, #tpu.memory_space<vmem>>, vector<64x64xf32>
    %dot_general3A_35 = arith.constant dense<0.000000e+00> : vector<1280x64xf32>
    %dot_general3A_36 = tpu.matmul %max3A_27, %get3A_34, %dot_general3A_35 {dimension_numbers = #tpu.dot_dimension_numbers<[1], [0], [0], [1], [0, 0, 1, 1], [], []>, precision = #tpu.contract_precision<fp32>, transpose_lhs_hint = false} : vector<1280x64xf32>, vector<64x64xf32>, vector<1280x64xf32> -> vector<1280x64xf32>
    %get3A_37 = arith.constant 0 : index
    %get3A_38 = arith.constant 0 : index
    %get3A_39 = arith.constant 0 : index
    %get3A_40 = vector.load %arg2[%get3A_37, %get3A_38, %get3A_39] : memref<1x128x20xf32, #tpu.memory_space<vmem>>, vector<1x128x20xf32>
    %squeeze3A = vector.shape_cast %get3A_40 : vector<1x128x20xf32> to vector<128x20xf32>
    %slice3A_41 = vector.extract_strided_slice %squeeze3A {offsets = [0, 0], sizes = [128, 1], strides = [1, 1]} : vector<128x20xf32> to vector<128x1xf32>
    %slice3A_42 = vector.extract_strided_slice %squeeze3A {offsets = [0, 1], sizes = [128, 1], strides = [1, 1]} : vector<128x20xf32> to vector<128x1xf32>
    %slice3A_43 = vector.extract_strided_slice %squeeze3A {offsets = [0, 2], sizes = [128, 1], strides = [1, 1]} : vector<128x20xf32> to vector<128x1xf32>
    %slice3A_44 = vector.extract_strided_slice %squeeze3A {offsets = [0, 3], sizes = [128, 1], strides = [1, 1]} : vector<128x20xf32> to vector<128x1xf32>
    %slice3A_45 = vector.extract_strided_slice %squeeze3A {offsets = [0, 4], sizes = [128, 1], strides = [1, 1]} : vector<128x20xf32> to vector<128x1xf32>
    %slice3A_46 = vector.extract_strided_slice %squeeze3A {offsets = [0, 5], sizes = [128, 1], strides = [1, 1]} : vector<128x20xf32> to vector<128x1xf32>
    %slice3A_47 = vector.extract_strided_slice %squeeze3A {offsets = [0, 6], sizes = [128, 1], strides = [1, 1]} : vector<128x20xf32> to vector<128x1xf32>
    %slice3A_48 = vector.extract_strided_slice %squeeze3A {offsets = [0, 7], sizes = [128, 1], strides = [1, 1]} : vector<128x20xf32> to vector<128x1xf32>
    %slice3A_49 = vector.extract_strided_slice %squeeze3A {offsets = [0, 8], sizes = [128, 1], strides = [1, 1]} : vector<128x20xf32> to vector<128x1xf32>
    %slice3A_50 = vector.extract_strided_slice %squeeze3A {offsets = [0, 9], sizes = [128, 1], strides = [1, 1]} : vector<128x20xf32> to vector<128x1xf32>
    %concatenate3A = tpu.concatenate %slice3A_41, %slice3A_42, %slice3A_43, %slice3A_44, %slice3A_45, %slice3A_46, %slice3A_47, %slice3A_48, %slice3A_49, %slice3A_50 in 0 : vector<128x1xf32>, vector<128x1xf32>, vector<128x1xf32>, vector<128x1xf32>, vector<128x1xf32>, vector<128x1xf32>, vector<128x1xf32>, vector<128x1xf32>, vector<128x1xf32>, vector<128x1xf32> -> vector<1280x1xf32>
    %slice3A_51 = vector.extract_strided_slice %squeeze3A {offsets = [0, 10], sizes = [128, 1], strides = [1, 1]} : vector<128x20xf32> to vector<128x1xf32>
    %slice3A_52 = vector.extract_strided_slice %squeeze3A {offsets = [0, 11], sizes = [128, 1], strides = [1, 1]} : vector<128x20xf32> to vector<128x1xf32>
    %slice3A_53 = vector.extract_strided_slice %squeeze3A {offsets = [0, 12], sizes = [128, 1], strides = [1, 1]} : vector<128x20xf32> to vector<128x1xf32>
    %slice3A_54 = vector.extract_strided_slice %squeeze3A {offsets = [0, 13], sizes = [128, 1], strides = [1, 1]} : vector<128x20xf32> to vector<128x1xf32>
    %slice3A_55 = vector.extract_strided_slice %squeeze3A {offsets = [0, 14], sizes = [128, 1], strides = [1, 1]} : vector<128x20xf32> to vector<128x1xf32>
    %slice3A_56 = vector.extract_strided_slice %squeeze3A {offsets = [0, 15], sizes = [128, 1], strides = [1, 1]} : vector<128x20xf32> to vector<128x1xf32>
    %slice3A_57 = vector.extract_strided_slice %squeeze3A {offsets = [0, 16], sizes = [128, 1], strides = [1, 1]} : vector<128x20xf32> to vector<128x1xf32>
    %slice3A_58 = vector.extract_strided_slice %squeeze3A {offsets = [0, 17], sizes = [128, 1], strides = [1, 1]} : vector<128x20xf32> to vector<128x1xf32>
    %slice3A_59 = vector.extract_strided_slice %squeeze3A {offsets = [0, 18], sizes = [128, 1], strides = [1, 1]} : vector<128x20xf32> to vector<128x1xf32>
    %slice3A_60 = vector.extract_strided_slice %squeeze3A {offsets = [0, 19], sizes = [128, 1], strides = [1, 1]} : vector<128x20xf32> to vector<128x1xf32>
    %concatenate3A_61 = tpu.concatenate %slice3A_51, %slice3A_52, %slice3A_53, %slice3A_54, %slice3A_55, %slice3A_56, %slice3A_57, %slice3A_58, %slice3A_59, %slice3A_60 in 0 : vector<128x1xf32>, vector<128x1xf32>, vector<128x1xf32>, vector<128x1xf32>, vector<128x1xf32>, vector<128x1xf32>, vector<128x1xf32>, vector<128x1xf32>, vector<128x1xf32>, vector<128x1xf32> -> vector<1280x1xf32>
    %mul3A_62 = vector.broadcast %concatenate3A : vector<1280x1xf32> to vector<1280x64xf32>
    %mul3A_63 = arith.mulf %dot_general3A_31, %mul3A_62 : vector<1280x64xf32>
    %mul3A_64 = vector.broadcast %concatenate3A_61 : vector<1280x1xf32> to vector<1280x64xf32>
    %mul3A_65 = arith.mulf %dot_general3A_36, %mul3A_64 : vector<1280x64xf32>
    %concatenate3A_66 = tpu.concatenate %mul3A_63, %mul3A_65 in 0 : vector<1280x64xf32>, vector<1280x64xf32> -> vector<2560x64xf32>
    %broadcast_in_dim3A = arith.constant 0.000000e+00 : f32
    %broadcast_in_dim3A_67 = vector.broadcast %broadcast_in_dim3A : f32 to vector<2560x64xf32>
    %concatenate3A_68 = tpu.concatenate %concatenate3A_66, %broadcast_in_dim3A_67 in 1 : vector<2560x64xf32>, vector<2560x64xf32> -> vector<2560x128xf32>
    %swap3A = arith.constant 0 : index
    %swap3A_69 = arith.constant 0 : index
    %swap3A_70 = vector.load %arg5[%swap3A, %swap3A_69] : memref<2560x128xf32, #tpu.memory_space<vmem>>, vector<2560x128xf32>
    tpu.vector_store %arg5[%swap3A, %swap3A_69], %concatenate3A_68 {strides = array<i32>} : memref<2560x128xf32, #tpu.memory_space<vmem>>, vector<2560x128xf32>,
    return
  }
  func.func @transform_0(%arg0: i32) -> (i32, i32) {
    %c0_i32 = arith.constant 0 : i32
    %c0_i32_0 = arith.constant 0 : i32
    return %arg0, %c0_i32 : i32, i32
  }
  func.func @transform_1(%arg0: i32) -> (i32, i32, i32) {
    %c0_i32 = arith.constant 0 : i32
    %c0_i32_0 = arith.constant 0 : i32
    %c0_i32_1 = arith.constant 0 : i32
    return %arg0, %c0_i32, %c0_i32_0 : i32, i32, i32
  }
  func.func @transform_2(%arg0: i32) -> (i32, i32) {
    %c0_i32 = arith.constant 0 : i32
    %c0_i32_0 = arith.constant 0 : i32
    %c0_i32_1 = arith.constant 0 : i32
    return %c0_i32, %c0_i32_0 : i32, i32
  }
  func.func @transform_3(%arg0: i32) -> (i32, i32) {
    %c0_i32 = arith.constant 0 : i32
    %c0_i32_0 = arith.constant 0 : i32
    %c0_i32_1 = arith.constant 0 : i32
    return %c0_i32, %c0_i32_0 : i32, i32
  }
  func.func @transform_4(%arg0: i32) -> (i32, i32) {
    %c0_i32 = arith.constant 0 : i32
    %c0_i32_0 = arith.constant 0 : i32
    return %arg0, %c0_i32 : i32, i32
  }
}

</mosaic_0001>

<sc_bundles>
// kernel: kernel.10.cloned.1.call-start
scs
__scs_entry_jumppad:
0x0: {  	(pc) =	sbr.rel $0x88, $3  }
0x1: {  	(tag) =	ssettag $0x0;
	lr =	simm.s32 $0x1  }
0x2: {  	[smem:$0x3F98] =	sst lr;
	_ =	strace $0xD0000000  }
0x3: {  	_ = 	snop  }
0x4: {  	_ = 	snop  }
0x5: {  	_ = 	snop  }
0x6: {  	_ = 	snop  }
0x7: {  	_ = 	snop  }
__scs_overlays_trampoline_lowered:
0x8: {  	[smem:$0x3FA7] =	sst s0  }
0x9: {  	[smem:$0x3FA8] =	sst s1  }
0xa: {  	[smem:$0x3FA9] =	sst s2  }
0xb: {  	[smem:$0x3FAA] =	sst s3  }
0xc: {  	[smem:$0x3FAB] =	sst s4  }
0xd: {  	[smem:$0x3FAC] =	sst s5  }
0xe: {  	[smem:$0x3FAD] =	sst s6  }
0xf: {  	[smem:$0x3FAE] =	sst s7  }
0x10: {  	[smem:$0x3FAF] =	sst s8  }
0x11: {  	[smem:$0x3FB0] =	sst s9;
	s0 =	simm.s32 @!p0 $0x0  }
0x12: {  	s1 =	sld [smem:$0x3F96];
	s0 =	simm.s32 @p0 $0x1  }
0x13: {  	[smem:$0x3FB1] =	sst s0;
	s0 =	simm.s32 @!p1 $0x0  }
0x14: {  	s2 =	sld [smem:$0x3F95];
	s0 =	simm.s32 @p1 $0x1  }
0x15: {  	[smem:$0x3FB2] =	sst s0;
	s0 =	simm.s32 @!p2 $0x0  }
0x16: {  	s3 =	sld [smem:$0x3FDB];
	s0 =	simm.s32 @p2 $0x1  }
0x17: {  	s4 =	simm.s32 $0x1BF5;
	[smem:$0x3FB4] =	sst s0  }
0x18: {  	s0 =	sld [smem:$0x3F97];
	_ =	swait.ge [sflag:s4], $0x0  }
0x19: {  	s7 =	sld [smem:$0x3F98]  }
0x1a: {  	s8 =	sadd.s32 $0xFFFFE003, lr  }
0x1b: {  	s9 =	sadd.s32 $0xFFFFFEF7, lr;
	s5 =	simm.s32 $0xFFFFFFFF;
	p2 =	slt.u32 s8, $0xFFFFF086  }
0x1c: {  	p1 =	slt.u32 s9, $0xF7A;
	s5 =	simm.s32 @!p2 $0x0  }
0x1d: {  	s5 =	simm.s32 @p1 $0x1;
	p0 =	seq.s32 s7, s2  }
0x1e: {  	s7 =	smul.u32 @!p0 $0xF7A, s2;
	p2 =	seq.s32 @!p0 s5, $0x0  }
0x1f: {  	s9 =	smul.u32 $0xF7A, s1;
	s8 =	simm.s32 @!p0 $0x1BF5;
	p2 =	por !p2, p0  }
0x20: {  	[sflag:s8] =	ssyncset.s32 @!p0 $0xFFFFF086;
	s6 =	sadd.s32 @!p0 s3, s7;
	s7 =	simm.s32 @!p0 $0x108  }
0x21: {  	s3 =	sadd.s32 s3, s9;
	s6 =	sadd.s32 @!p0 $0x88, s6;
	s7 =	simm.s32 @p2 $0x1082  }
0x22: {  	[simem:s7], [sflag:s8] =	dma.local @!p0 [hbm:s6], $0xF7A  }
0x23: {  	s9 =	sor.u32 $0xD0000000, s2;
	s6 =	simm.s32 $0x108;
	_ =	swait.ge @!p0 [sflag:s8], $0x0  }
0x24: {  	s3 =	sadd.s32 $0x88, s3;
	s6 =	simm.s32 @!p1 $0x1082;
	[sflag:s4] =	ssyncset.s32 $0xFFFFF086  }
0x25: {  	[simem:s6], [sflag:s4] =	dma.local [hbm:s3], $0xF7A  }
0x26: {  	[smem:$0x3F98] =	sst s1;
	(tag) =	ssettag s2;
	_ =	strace s9  }
0x27: {  	s1 =	sld [smem:$0x3FA8]  }
0x28: {  	s2 =	sld [smem:$0x3FA9]  }
0x29: {  	s4 =	sld [smem:$0x3FAB]  }
0x2a: {  	p0 =	seq.s32 s5, $0x0;
	s5 =	sld [smem:$0x3FAC]  }
0x2b: {  	s6 =	sld [smem:$0x3FAD]  }
0x2c: {  	s7 =	sld [smem:$0x3FAE]  }
0x2d: {  	s3 =	simm.s32 $0x108;
	s8 =	sld [smem:$0x3FAF]  }
0x2e: {  	s3 =	simm.s32 @!p0 $0x1082;
	s9 =	sld [smem:$0x3FB0]  }
0x2f: {  	lr =	sadd.s32 s0, s3;
	s0 =	sld [smem:$0x3FA7]  }
0x30: {  	s3 =	sld [smem:$0x3FAA]  }
0x31: {  	[smem:$0x3FB3] =	sst s10  }
0x32: {  	s10 =	sld [smem:$0x3FB1];
	_ =	sdelay $0x3  }
0x33: {  	p0 =	seq.s32 s10, $0x1;
	s10 =	sld [smem:$0x3FB3];
	_ =	sdelay $0x3  }
0x34: {  	[smem:$0x3FB3] =	sst s10  }
0x35: {  	s10 =	sld [smem:$0x3FB2];
	_ =	sdelay $0x3  }
0x36: {  	p1 =	seq.s32 s10, $0x1;
	s10 =	sld [smem:$0x3FB3];
	_ =	sdelay $0x3  }
0x37: {  	[smem:$0x3FB3] =	sst s10  }
0x38: {  	s10 =	sld [smem:$0x3FB4]  }
0x39: {  	_ = 	snop;
	(pc) =	sbr.ind lr, $3  }
0x3a: {  	_ = 	snop  }
0x3b: {  	_ = 	snop  }
0x3c: {  	p2 =	seq.s32 s10, $0x1;
	s10 =	sld [smem:$0x3FB3]  }
0x3d: {  	_ =	shalt  }
0x3e: {  	_ =	shalt  }
0x3f: {  	_ =	shalt  }
0x40: {  	_ =	shalt  }
0x41: {  	_ =	shalt  }
0x42: {  	_ =	shalt  }
0x43: {  	_ =	shalt  }
0x44: {  	_ =	shalt  }
0x45: {  	_ =	shalt  }
0x46: {  	_ =	shalt  }
0x47: {  	_ =	shalt  }
0x48: {  	_ =	shalt  }
0x49: {  	_ =	shalt  }
0x4a: {  	_ =	shalt  }
0x4b: {  	_ =	shalt  }
0x4c: {  	_ =	shalt  }
0x4d: {  	_ =	shalt  }
0x4e: {  	_ =	shalt  }
0x4f: {  	_ =	shalt  }
0x50: {  	_ =	shalt  }
0x51: {  	_ =	shalt  }
0x52: {  	_ =	shalt  }
0x53: {  	_ =	shalt  }
0x54: {  	_ =	shalt  }
0x55: {  	_ =	shalt  }
0x56: {  	_ =	shalt  }
0x57: {  	_ =	shalt  }
0x58: {  	_ =	shalt  }
0x59: {  	_ =	shalt  }
0x5a: {  	_ =	shalt  }
0x5b: {  	_ =	shalt  }
0x5c: {  	_ =	shalt  }
0x5d: {  	_ =	shalt  }
0x5e: {  	_ =	shalt  }
0x5f: {  	_ =	shalt  }
0x60: {  	_ =	shalt  }
0x61: {  	_ =	shalt  }
0x62: {  	_ =	shalt  }
0x63: {  	_ =	shalt  }
0x64: {  	_ =	shalt  }
0x65: {  	_ =	shalt  }
0x66: {  	_ =	shalt  }
0x67: {  	_ =	shalt  }
0x68: {  	_ =	shalt  }
0x69: {  	_ =	shalt  }
0x6a: {  	_ =	shalt  }
0x6b: {  	_ =	shalt  }
0x6c: {  	_ =	shalt  }
0x6d: {  	_ =	shalt  }
0x6e: {  	_ =	shalt  }
0x6f: {  	_ =	shalt  }
0x70: {  	_ =	shalt  }
0x71: {  	_ =	shalt  }
0x72: {  	_ =	shalt  }
0x73: {  	_ =	shalt  }
0x74: {  	_ =	shalt  }
0x75: {  	_ =	shalt  }
0x76: {  	_ =	shalt  }
0x77: {  	_ =	shalt  }
0x78: {  	_ =	shalt  }
0x79: {  	_ =	shalt  }
0x7a: {  	_ =	shalt  }
0x7b: {  	_ =	shalt  }
0x7c: {  	_ =	shalt  }
0x7d: {  	_ =	shalt  }
0x7e: {  	_ =	shalt  }
0x7f: {  	_ =	shalt  }
0x80: {  	_ =	shalt  }
0x81: {  	_ =	shalt  }
0x82: {  	_ =	shalt  }
0x83: {  	_ =	shalt  }
0x84: {  	_ =	shalt  }
0x85: {  	_ =	shalt  }
0x86: {  	_ =	shalt  }
0x87: {  	_ =	shalt  }
.Lfunc_end0:
.L_simem_size_0:
called_computation.1_lowered:
.L_overlay_start_0:
0x88: {  	s2 =	sld [smem:$0x3FD9]  }
0x89: {  	s3 =	sld [smem:$0x3FFE];
	_ =	sdelay $0x1  }
0x8a: {  	s1 =	srdreg.scid  }
0x8b: {  	s0 =	sand.u32 $0x1, s1  }
0x8c: {  	s16 =	sshll.u32 s0, $0xA;
	s2 =	sadd.s32 s3, s2  }
0x8d: {  	s2 =	sadd.s32 s2, s16  }
0x8e: {  	[smem:$0x3FBF] =	sst s2  }
0x8f: {  	_ = 	snop  }
0x90: {  	(tm) =	ssettm $0x1  }
0x91: {  	s17 =	sld [smem:$0x3FFB];
	_ =	sdelay $0x3  }
0x92: {  	_ =	strace s17  }
0x93: {  	s2 =	sld [smem:$0x3FFC];
	_ =	sdelay $0x3  }
0x94: {  	_ =	strace s2  }
0x95: {  	s2 =	sld [smem:$0x3FFD];
	_ =	sdelay $0x3  }
0x96: {  	_ =	strace s2  }
0x97: {  	_ =	strace $0x8FFFFFFF  }
0x98: {  	s18 =	sld [smem:$0x3FDB];
	_ =	sdelay $0x1  }
0x99: {  	s19 =	simm.s32 $_scs_section_size  }
0x9a: {  	s4 =	simm.s32 $_size__tile_overlayer_lowered;
	s5 =	simm.s32 $_tile_overlayer_lowered  }
0x9b: {  	s22 =	simm.s32 $0x1BFF;
	s21 =	sshll.u32 s5, $0x1;
	s2 =	sadd.s32 s19, s18  }
0x9c: {  	s6 =	simm.s32 $0x0;
	s20 =	sshll.u32 s4, $0x1;
	s4 =	sadd.s32 s21, s2  }
0x9d: {  	[timem:s6], [sflag:s22] =	dma.local [hbm:s4], s20  }
0x9e: {  	_ =	swait.ge [sflag:s22], s20  }
0x9f: {  	s3 =	ssub.s32 $0x0, s20;
	[sflag:s22] =	ssyncset.done $0x0  }
0xa0: {  	[sflag:s22] =	ssyncadd.s32 s3;
	_ =	sdelay $0x1  }
0xa1: {  	s23 =	simm.s32 $0x1B8B  }
0xa2: {  	_ =	swait.ge [sflag:s23], $0x1  }
0xa3: {  	[sflag:s23] =	ssyncset.done $0x0  }
0xa4: {  	s25 =	simm.s32 $0x1B8E;
	s24 =	sld [smem:$0x3FFE];
	[sflag:s23] =	ssyncadd.s32 $0xFFFFFFFF  }
0xa5: {  	s26 =	simm.s32 $execute0_lowered;
	[smem:$0x3FD2] =	sst s25  }
0xa6: {  	s4 =	sshll.u32 s26, $0x1;
	_ =	strace $0x80000049;
	[dreg:$0x1] =	wrdreg $0xFFFFFFFF  }
0xa7: {  	s28 =	simm.s32 $_size_execute0_lowered;
	s2 =	sadd.s32 s2, s4;
	[dreg:$0x0] =	wrdreg $0x0  }
0xa8: {  	s4 =	sshll.u32 s28, $0x1;
	[dreg:$0x2] =	wrdreg s2  }
0xa9: {  	[dreg:$0x3] =	wrdreg s4  }
0xaa: {  	[dreg:$0x4] =	wrdreg $0xC0  }
0xab: {  	_ =	task [dreg:s6], $0x5FFFF  }
0xac: {  	[dreg:$0x1] =	wrdreg $0xFFFFFFFF  }
0xad: {  	[dreg:$0x0] =	wrdreg $0x60  }
0xae: {  	[dreg:$0x2] =	wrdreg s24  }
0xaf: {  	[dreg:$0x3] =	wrdreg $0x40800  }
0xb0: {  	[dreg:$0x4] =	wrdreg $0x9  }
0xb1: {  	_ =	task.clear_ibuf [dreg:s6], $0x5FFFF;
	_ =	strace $0x90000049  }
0xb2: {  	s29 =	simm.s32 $0x9;
	_ =	strace $0x8000004B  }
0xb3: {  	_ =	swait.ge [sflag:s29], $0x1  }
0xb4: {  	[sflag:s29] =	ssyncadd.s32 $0xFFFFFFFF  }
0xb5: {  	_ =	strace $0x9000004B  }
0xb6: {  	_ =	sfence  }
0xb7: {  	s30 =	sld [smem:$0x0];
	_ =	sdelay $0x2  }
0xb8: {  	s31 =	sshll.u32 s1, $0xD;
	s1 =	sshrl.u32 s1, $0x2  }
0xb9: {  	s3 =	sand.u32 $0x4000, s31;
	s1 =	sadd.s32 s1, s30  }
0xba: {  	s0 =	sor.u32 s3, s0;
	s1 =	sshll.u32 s1, $0x11  }
0xbb: {  	s0 =	sor.u32 s1, s0  }
0xbc: {  	s0 =	sadd.s32 $0x8F2B, s0  }
0xbd: {  	[sflag:s0] =	ssyncadd.remote.s32 $0x1  }
0xbe: {  	_ =	sfence.sel $0xFFFF  }
0xbf: {  	[dreg:$0x0] =	wrdreg $0xFFFFFFFF;
	(pc) =	sbr.abs _section_cstart, $3  }
0xc0: {  	[dreg:$0x1] =	wrdreg $0xFFFFFFFF  }
0xc1: {  	_ =	task.clear_ibuf [dreg:s6], $0x2FFFF;
	_ =	strace $0x9FFFFFFF  }
0xc2: {  	(tm) =	ssettm $0x7FFFFFFF  }
0xc3: {  	_ =	shalt  }
tec
execute0_lowered:
.L_overlay_start_1:
0x0: {  	(tag) =	ssettag $0x1  }
0x1: {  	s3 =	rddreg [dreg:$0x0]  }
0x2: {  	s1 =	rddreg [dreg:$0x1]  }
0x3: {  	s0 =	rddreg [dreg:$0x2];
	s4 =	srdreg.scid  }
0x4: {  	s2 =	simm.s32 $0x0;
	s7 =	stileid.u32;
	s8 =	sand.u32 $0x1, s4  }
0x5: {  	[smem:$0x7FF] =	sst s2;
	s26 =	sshll.u32 s7, $0x5;
	s6 =	sshll.u32 s7, $0xC  }
0x6: {  	s12 =	sshll.u32 s7, $0x1;
	p0 =	sne.s32 s7, $0x0;
	s5 =	sshll.u32 s8, $0x4  }
0x7: {  	_ =	strace $0x8000004A;
	s9 =	smul.u32 $0x27100, s8;
	s10 =	ssub.s32 $0x2, s8  }
0x8: {  	s11 =	sadd.s32 s6, s3;
	s31 =	sshll.u32 s8, $0xB;
	s5 =	sor.u32 s5, s26  }
0x9: {  	s8 =	sor.u32 s8, s12;
	s29 =	sshrl.u32 s10, $0x1;
	s4 =	sand.u32 $0x180, s5  }
0xa: {  	s9 =	sadd.s32 s9, s3;
	s10 =	ssub.s32 s10, s29;
	s30 =	sand.u32 $0x70, s5  }
0xb: {  	s28 =	sadd.s32 s4, s3;
	s3 =	sadd.s32 $0x4EE200, s3;
	s4 =	sadd.s32 $0x515400, s9  }
0xc: {  	s5 =	smax.u32 s10, $0x1;
	s9 =	sadd.s32 s31, s11;
	s6 =	sadd.s32 s30, s28  }
0xd: {  	s7 =	sadd.s32 $0xC200, s9;
	s9 =	sshrl.u32 @!p0 s1, $0x3;
	s6 =	sadd.s32 $0x2400, s6  }
.LBB2_1:
0xe: {  	s10 =	simm.s32 @!p0 $0x1C01  }
0xf: {  	[spmem:s9], [sflag:s10] =	dma.local @!p0 [hbm:s3], $0x27100  }
0x10: {  	s10 =	simm.s32 @!p0 $0x1  }
0x11: {  	_ =	swait.ge @!p0 [sflag:s10], $0x27100  }
0x12: {  	s11 =	sadd.s32 $0x0, s8;
	[sflag:s10] =	ssyncset.done @!p0 $0x0  }
0x13: {  	p1 =	sgt.u32 s11, $0x9C3;
	[sflag:s10] =	ssyncadd.s32 @!p0 $0xFFFD8F00  }
0x14: {  	s12 =	simm.s32 @!p1 $0x2;
	s10 =	simm.s32 @!p1 $0x0;
	[bflag:$0x0] =	sbarrier.arrive $0xFFFF  }
0x15: {  	[tilespmem:s10], [sflag:$0x2] =	stream.linear.gather @!p1 [hbm4b:s6+s10], $0x80, $0x38;
	[tilespmem:$0x17900] =	vst v63  }
0x16: {  	_ =	swait.ge @!p1 [sflag:s12], $0x80  }
0x17: {  	[sflag:s12] =	ssyncset.done @!p1 $0x0;
	p1 =	por p1, p1  }
0x18: {  	[sflag:s12] =	ssyncadd.s32 @!p1 $0xFFFFFF80;
	s14 =	simm.s32 @!p1 $0x80  }
0x19: {  	[tilespmem:s14], [sflag:$0x2] =	stream.linear.gather @!p1 [hbm4b:s7+s10], $0x4000, $0x38;
	[tilespmem:$0x17900] =	vst v63  }
0x1a: {  	_ =	swait.ge @!p1 [sflag:s12], $0x4000  }
0x1b: {  	[sflag:s12] =	ssyncset.done @!p1 $0x0  }
0x1c: {  	s31 =	sadd.s32 $0x20, s8;
	s13 =	simm.s32 @!p1 $0x1;
	[sflag:s12] =	ssyncadd.s32 @!p1 $0xFFFFC000  }
0x1d: {  	[spmem:s1] =	stream.indirect.scatter.add.f32 @!p1 [tilespmem:s14], [sflag:$0x1], $0x80, s10, s14, $0xb8;
	[tilespmem:$0x17900] =	vst v63  }
0x1e: {  	s11 =	simm.s32 $0x40;
	p2 =	sgt.u32 s31, $0x9C3;
	_ =	swait.ge @!p1 [sflag:s13], $0x4000  }
0x1f: {  	s12 =	sadd.s32 $0x200, s6;
	s10 =	sadd.s32 $0x10000, s7;
	[sflag:s13] =	ssyncset.done @!p1 $0x0  }
.LBB2_2:
0x20: {  	s14 =	simm.s32 @!p2 $0x0;
	s15 =	simm.s32 @!p2 $0x2;
	[sflag:s13] =	ssyncadd.s32 @!p1 $0xFFFFC000  }
0x21: {  	[tilespmem:s14], [sflag:$0x2] =	stream.linear.gather @!p2 [hbm4b:s12+s14], $0x80, $0x38;
	[tilespmem:$0x17900] =	vst v63  }
0x22: {  	s16 =	smov.u32 s11;
	s11 =	sadd.s32 $0x20, s11;
	_ =	swait.ge @!p2 [sflag:s15], $0x80  }
0x23: {  	p1 =	por p2, p2;
	p3 =	sne.s32 s11, $0x9E0;
	[sflag:s15] =	ssyncset.done @!p2 $0x0  }
0x24: {  	s17 =	simm.s32 @!p1 $0x80;
	[sflag:s15] =	ssyncadd.s32 @!p1 $0xFFFFFF80  }
0x25: {  	[tilespmem:s17], [sflag:$0x2] =	stream.linear.gather @!p1 [hbm4b:s10+s14], $0x4000, $0x38;
	[tilespmem:$0x17900] =	vst v63  }
0x26: {  	_ =	swait.ge @!p1 [sflag:s15], $0x4000  }
.Ltmp0:
0x27: {  	[sflag:s15] =	ssyncset.done @!p1 $0x0;
	(pc) =	sbr.rel @p3 .LBB2_2-.Ltmp0, $4  }
0x28: {  	s13 =	simm.s32 @!p1 $0x1;
	[sflag:s15] =	ssyncadd.s32 @!p1 $0xFFFFC000  }
0x29: {  	[spmem:s1] =	stream.indirect.scatter.add.f32 @!p1 [tilespmem:s17], [sflag:$0x1], $0x80, s14, s17, $0xb8;
	[tilespmem:$0x17900] =	vst v63  }
0x2a: {  	s10 =	sadd.s32 $0x10000, s10;
	s14 =	sadd.s32 s16, s8;
	_ =	swait.ge @!p1 [sflag:s13], $0x4000  }
0x2b: {  	s12 =	sadd.s32 $0x200, s12;
	p2 =	sgt.u32 s14, $0x9C3;
	[sflag:s13] =	ssyncset.done @!p1 $0x0  }
0x2c: {  	s11 =	simm.s32 @!p2 $0x0;
	s14 =	simm.s32 @!p2 $0x2;
	[sflag:s13] =	ssyncadd.s32 @!p1 $0xFFFFC000  }
0x2d: {  	[tilespmem:s11], [sflag:$0x2] =	stream.linear.gather @!p2 [hbm4b:s12+s11], $0x80, $0x38;
	[tilespmem:$0x17900] =	vst v63  }
0x2e: {  	_ =	swait.ge @!p2 [sflag:s14], $0x80  }
0x2f: {  	p1 =	por p2, p2;
	[sflag:s14] =	ssyncset.done @!p2 $0x0  }
0x30: {  	s12 =	simm.s32 @!p1 $0x80;
	[sflag:s14] =	ssyncadd.s32 @!p1 $0xFFFFFF80  }
0x31: {  	[tilespmem:s12], [sflag:$0x2] =	stream.linear.gather @!p1 [hbm4b:s10+s11], $0x4000, $0x38;
	[tilespmem:$0x17900] =	vst v63  }
0x32: {  	_ =	swait.ge @!p1 [sflag:s14], $0x4000  }
0x33: {  	[sflag:s14] =	ssyncset.done @!p1 $0x0  }
0x34: {  	s10 =	simm.s32 @!p1 $0x1;
	[sflag:s14] =	ssyncadd.s32 @!p1 $0xFFFFC000  }
0x35: {  	[spmem:s1] =	stream.indirect.scatter.add.f32 @!p1 [tilespmem:s12], [sflag:$0x1], $0x80, s11, s12, $0xb8;
	[tilespmem:$0x17900] =	vst v63  }
0x36: {  	_ =	swait.ge @!p1 [sflag:s10], $0x4000  }
0x37: {  	[sflag:s10] =	ssyncset.done @!p1 $0x0  }
0x38: {  	s2 =	sadd.s32 $0x1, s2;
	[sflag:s10] =	ssyncadd.s32 @!p1 $0xFFFFC000  }
0x39: {  	s10 =	simm.s32 @!p0 $0x1C01;
	p1 =	sne.s32 s2, s5;
	[bflag:$0x0] =	sbarrier.arrive $0xFFFF  }
0x3a: {  	[hbm:s4], [sflag:s10] =	dma.local @!p0 [spmem:s9], $0x27100  }
.Ltmp1:
0x3b: {  	_ = 	snop;
	(pc) =	sbr.rel @p1 .LBB2_1-.Ltmp1, $4  }
0x3c: {  	s10 =	simm.s32 @!p0 $0x1  }
0x3d: {  	_ =	swait.ge @!p0 [sflag:s10], $0x27100  }
0x3e: {  	[sflag:s10] =	ssyncset.done @!p0 $0x0  }
0x3f: {  	[sflag:s10] =	ssyncadd.s32 @!p0 $0xFFFD8F00  }
0x40: {  	_ =	sfence.sel $0x180000  }
0x41: {  	[bflag:$0x0] =	sbarrier.arrive $0xFFFF  }
0x42: {  	_ =	strace $0x9000004A  }
0x43: {  	s0 =	sadd.s32 @!p0 $0x100000, s0;
	[bflag:$0x2] =	sbarrier.arrive $0xFFFF  }
0x44: {  	[sflag:s0] =	ssyncadd.tile.s32 @!p0 $0x1;
	_ =	shalt  }
.Lfunc_end2:
_tile_overlayer_lowered:
.L_overlay_start_2:
0x45: {  	(tag) =	ssettag $0x2  }
0x46: {  	s0 =	rddreg [dreg:$0x0];
	s2 =	stileid.u32  }
0x47: {  	s1 =	rddreg [dreg:$0x1];
	p0 =	sne.s32 s2, $0x0  }
0x48: {  	s3 =	rddreg [dreg:$0x2];
	[bflag:$0x3] =	sbarrier.arrive $0xFFFF;
	s2 =	simm.s32 @!p0 $0x1C01  }
0x49: {  	[timem:s3], [sflag:s2] =	dma.local @!p0 [hbm:s0], s1  }
0x4a: {  	s0 =	simm.s32 @!p0 $0x1  }
0x4b: {  	_ =	swait.ge @!p0 [sflag:s0], s1  }
0x4c: {  	s1 =	ssub.s32 @!p0 $0x0, s1;
	[sflag:s0] =	ssyncset.done @!p0 $0x0  }
0x4d: {  	[sflag:s0] =	ssyncadd.s32 @!p0 s1  }
0x4e: {  	[bflag:$0x3] =	sbarrier.arrive $0xFFFF  }
0x4f: {  	_ =	shalt  }

// kernel: kernel.7.cloned.1.call-start
scs
__scs_entry_jumppad:
0x0: {  	(pc) =	sbr.rel $0x88, $3  }
0x1: {  	(tag) =	ssettag $0x0;
	lr =	simm.s32 $0x1  }
0x2: {  	[smem:$0x3F98] =	sst lr;
	_ =	strace $0xD0000000  }
0x3: {  	_ = 	snop  }
0x4: {  	_ = 	snop  }
0x5: {  	_ = 	snop  }
0x6: {  	_ = 	snop  }
0x7: {  	_ = 	snop  }
__scs_overlays_trampoline_lowered:
0x8: {  	[smem:$0x3FA7] =	sst s0  }
0x9: {  	[smem:$0x3FA8] =	sst s1  }
0xa: {  	[smem:$0x3FA9] =	sst s2  }
0xb: {  	[smem:$0x3FAA] =	sst s3  }
0xc: {  	[smem:$0x3FAB] =	sst s4  }
0xd: {  	[smem:$0x3FAC] =	sst s5  }
0xe: {  	[smem:$0x3FAD] =	sst s6  }
0xf: {  	[smem:$0x3FAE] =	sst s7  }
0x10: {  	[smem:$0x3FAF] =	sst s8  }
0x11: {  	[smem:$0x3FB0] =	sst s9;
	s0 =	simm.s32 @!p0 $0x0  }
0x12: {  	s1 =	sld [smem:$0x3F96];
	s0 =	simm.s32 @p0 $0x1  }
0x13: {  	[smem:$0x3FB1] =	sst s0;
	s0 =	simm.s32 @!p1 $0x0  }
0x14: {  	s2 =	sld [smem:$0x3F95];
	s0 =	simm.s32 @p1 $0x1  }
0x15: {  	[smem:$0x3FB2] =	sst s0;
	s0 =	simm.s32 @!p2 $0x0  }
0x16: {  	s3 =	sld [smem:$0x3FDB];
	s0 =	simm.s32 @p2 $0x1  }
0x17: {  	s4 =	simm.s32 $0x1BF5;
	[smem:$0x3FB4] =	sst s0  }
0x18: {  	s0 =	sld [smem:$0x3F97];
	_ =	swait.ge [sflag:s4], $0x0  }
0x19: {  	s7 =	sld [smem:$0x3F98]  }
0x1a: {  	s8 =	sadd.s32 $0xFFFFE003, lr  }
0x1b: {  	s9 =	sadd.s32 $0xFFFFFEF7, lr;
	s5 =	simm.s32 $0xFFFFFFFF;
	p2 =	slt.u32 s8, $0xFFFFF086  }
0x1c: {  	p1 =	slt.u32 s9, $0xF7A;
	s5 =	simm.s32 @!p2 $0x0  }
0x1d: {  	s5 =	simm.s32 @p1 $0x1;
	p0 =	seq.s32 s7, s2  }
0x1e: {  	s7 =	smul.u32 @!p0 $0xF7A, s2;
	p2 =	seq.s32 @!p0 s5, $0x0  }
0x1f: {  	s9 =	smul.u32 $0xF7A, s1;
	s8 =	simm.s32 @!p0 $0x1BF5;
	p2 =	por !p2, p0  }
0x20: {  	[sflag:s8] =	ssyncset.s32 @!p0 $0xFFFFF086;
	s6 =	sadd.s32 @!p0 s3, s7;
	s7 =	simm.s32 @!p0 $0x108  }
0x21: {  	s3 =	sadd.s32 s3, s9;
	s6 =	sadd.s32 @!p0 $0x88, s6;
	s7 =	simm.s32 @p2 $0x1082  }
0x22: {  	[simem:s7], [sflag:s8] =	dma.local @!p0 [hbm:s6], $0xF7A  }
0x23: {  	s9 =	sor.u32 $0xD0000000, s2;
	s6 =	simm.s32 $0x108;
	_ =	swait.ge @!p0 [sflag:s8], $0x0  }
0x24: {  	s3 =	sadd.s32 $0x88, s3;
	s6 =	simm.s32 @!p1 $0x1082;
	[sflag:s4] =	ssyncset.s32 $0xFFFFF086  }
0x25: {  	[simem:s6], [sflag:s4] =	dma.local [hbm:s3], $0xF7A  }
0x26: {  	[smem:$0x3F98] =	sst s1;
	(tag) =	ssettag s2;
	_ =	strace s9  }
0x27: {  	s1 =	sld [smem:$0x3FA8]  }
0x28: {  	s2 =	sld [smem:$0x3FA9]  }
0x29: {  	s4 =	sld [smem:$0x3FAB]  }
0x2a: {  	p0 =	seq.s32 s5, $0x0;
	s5 =	sld [smem:$0x3FAC]  }
0x2b: {  	s6 =	sld [smem:$0x3FAD]  }
0x2c: {  	s7 =	sld [smem:$0x3FAE]  }
0x2d: {  	s3 =	simm.s32 $0x108;
	s8 =	sld [smem:$0x3FAF]  }
0x2e: {  	s3 =	simm.s32 @!p0 $0x1082;
	s9 =	sld [smem:$0x3FB0]  }
0x2f: {  	lr =	sadd.s32 s0, s3;
	s0 =	sld [smem:$0x3FA7]  }
0x30: {  	s3 =	sld [smem:$0x3FAA]  }
0x31: {  	[smem:$0x3FB3] =	sst s10  }
0x32: {  	s10 =	sld [smem:$0x3FB1];
	_ =	sdelay $0x3  }
0x33: {  	p0 =	seq.s32 s10, $0x1;
	s10 =	sld [smem:$0x3FB3];
	_ =	sdelay $0x3  }
0x34: {  	[smem:$0x3FB3] =	sst s10  }
0x35: {  	s10 =	sld [smem:$0x3FB2];
	_ =	sdelay $0x3  }
0x36: {  	p1 =	seq.s32 s10, $0x1;
	s10 =	sld [smem:$0x3FB3];
	_ =	sdelay $0x3  }
0x37: {  	[smem:$0x3FB3] =	sst s10  }
0x38: {  	s10 =	sld [smem:$0x3FB4]  }
0x39: {  	_ = 	snop;
	(pc) =	sbr.ind lr, $3  }
0x3a: {  	_ = 	snop  }
0x3b: {  	_ = 	snop  }
0x3c: {  	p2 =	seq.s32 s10, $0x1;
	s10 =	sld [smem:$0x3FB3]  }
0x3d: {  	_ =	shalt  }
0x3e: {  	_ =	shalt  }
0x3f: {  	_ =	shalt  }
0x40: {  	_ =	shalt  }
0x41: {  	_ =	shalt  }
0x42: {  	_ =	shalt  }
0x43: {  	_ =	shalt  }
0x44: {  	_ =	shalt  }
0x45: {  	_ =	shalt  }
0x46: {  	_ =	shalt  }
0x47: {  	_ =	shalt  }
0x48: {  	_ =	shalt  }
0x49: {  	_ =	shalt  }
0x4a: {  	_ =	shalt  }
0x4b: {  	_ =	shalt  }
0x4c: {  	_ =	shalt  }
0x4d: {  	_ =	shalt  }
0x4e: {  	_ =	shalt  }
0x4f: {  	_ =	shalt  }
0x50: {  	_ =	shalt  }
0x51: {  	_ =	shalt  }
0x52: {  	_ =	shalt  }
0x53: {  	_ =	shalt  }
0x54: {  	_ =	shalt  }
0x55: {  	_ =	shalt  }
0x56: {  	_ =	shalt  }
0x57: {  	_ =	shalt  }
0x58: {  	_ =	shalt  }
0x59: {  	_ =	shalt  }
0x5a: {  	_ =	shalt  }
0x5b: {  	_ =	shalt  }
0x5c: {  	_ =	shalt  }
0x5d: {  	_ =	shalt  }
0x5e: {  	_ =	shalt  }
0x5f: {  	_ =	shalt  }
0x60: {  	_ =	shalt  }
0x61: {  	_ =	shalt  }
0x62: {  	_ =	shalt  }
0x63: {  	_ =	shalt  }
0x64: {  	_ =	shalt  }
0x65: {  	_ =	shalt  }
0x66: {  	_ =	shalt  }
0x67: {  	_ =	shalt  }
0x68: {  	_ =	shalt  }
0x69: {  	_ =	shalt  }
0x6a: {  	_ =	shalt  }
0x6b: {  	_ =	shalt  }
0x6c: {  	_ =	shalt  }
0x6d: {  	_ =	shalt  }
0x6e: {  	_ =	shalt  }
0x6f: {  	_ =	shalt  }
0x70: {  	_ =	shalt  }
0x71: {  	_ =	shalt  }
0x72: {  	_ =	shalt  }
0x73: {  	_ =	shalt  }
0x74: {  	_ =	shalt  }
0x75: {  	_ =	shalt  }
0x76: {  	_ =	shalt  }
0x77: {  	_ =	shalt  }
0x78: {  	_ =	shalt  }
0x79: {  	_ =	shalt  }
0x7a: {  	_ =	shalt  }
0x7b: {  	_ =	shalt  }
0x7c: {  	_ =	shalt  }
0x7d: {  	_ =	shalt  }
0x7e: {  	_ =	shalt  }
0x7f: {  	_ =	shalt  }
0x80: {  	_ =	shalt  }
0x81: {  	_ =	shalt  }
0x82: {  	_ =	shalt  }
0x83: {  	_ =	shalt  }
0x84: {  	_ =	shalt  }
0x85: {  	_ =	shalt  }
0x86: {  	_ =	shalt  }
0x87: {  	_ =	shalt  }
.Lfunc_end0:
.L_simem_size_0:
called_computation_lowered:
.L_overlay_start_0:
0x88: {  	s2 =	sld [smem:$0x3FD9]  }
0x89: {  	s3 =	sld [smem:$0x3FFE];
	_ =	sdelay $0x1  }
0x8a: {  	s1 =	srdreg.scid  }
0x8b: {  	s0 =	sand.u32 $0x1, s1  }
0x8c: {  	s17 =	sshll.u32 s0, $0xA;
	s2 =	sadd.s32 s3, s2  }
0x8d: {  	s2 =	sadd.s32 s2, s17  }
0x8e: {  	[smem:$0x3FBF] =	sst s2  }
0x8f: {  	_ = 	snop  }
0x90: {  	s2 =	sld [smem:$0x3FC9]  }
0x91: {  	s18 =	sld [smem:$0x3FD0];
	(tm) =	ssettm $0x1  }
0x92: {  	s4 =	sld [smem:$0x3FFB];
	_ =	sdelay $0x3  }
0x93: {  	_ =	strace s4  }
0x94: {  	s4 =	sld [smem:$0x3FFC];
	_ =	sdelay $0x3  }
0x95: {  	_ =	strace s4  }
0x96: {  	s4 =	sld [smem:$0x3FFD];
	_ =	sdelay $0x3  }
0x97: {  	_ =	strace s4  }
0x98: {  	_ =	strace $0x8FFFFFFF  }
0x99: {  	s19 =	sld [smem:$0x3FDB];
	_ =	sdelay $0x1  }
0x9a: {  	s5 =	simm.s32 $_scs_section_size  }
0x9b: {  	s6 =	simm.s32 $_size__tile_overlayer_lowered;
	s7 =	simm.s32 $_tile_overlayer_lowered  }
0x9c: {  	s22 =	simm.s32 $0x1BFF;
	s21 =	sshll.u32 s7, $0x1;
	s4 =	sadd.s32 s5, s19  }
0x9d: {  	s8 =	simm.s32 $0x0;
	s20 =	sshll.u32 s6, $0x1;
	s6 =	sadd.s32 s21, s4  }
0x9e: {  	[timem:s8], [sflag:s22] =	dma.local [hbm:s6], s20  }
0x9f: {  	_ =	swait.ge [sflag:s22], s20  }
0xa0: {  	s5 =	ssub.s32 $0x0, s20;
	[sflag:s22] =	ssyncset.done $0x0  }
0xa1: {  	[sflag:s22] =	ssyncadd.s32 s5;
	_ =	sdelay $0x1  }
0xa2: {  	s23 =	simm.s32 $0x1B8B  }
0xa3: {  	_ =	swait.ge [sflag:s23], $0x1  }
0xa4: {  	[sflag:s23] =	ssyncset.done $0x0  }
0xa5: {  	s25 =	simm.s32 $0x1B8E;
	s24 =	sld [smem:$0x3FFE];
	[sflag:s23] =	ssyncadd.s32 $0xFFFFFFFF  }
0xa6: {  	s26 =	simm.s32 $execute0_lowered;
	[smem:$0x3FD2] =	sst s25  }
0xa7: {  	s6 =	sshll.u32 s26, $0x1;
	_ =	strace $0x80000046;
	[dreg:$0x1] =	wrdreg $0xFFFFFFFF  }
0xa8: {  	s28 =	simm.s32 $_size_execute0_lowered;
	s4 =	sadd.s32 s4, s6;
	[dreg:$0x0] =	wrdreg $0x0  }
0xa9: {  	s6 =	sshll.u32 s28, $0x1;
	[dreg:$0x2] =	wrdreg s4  }
0xaa: {  	[dreg:$0x3] =	wrdreg s6  }
0xab: {  	[dreg:$0x4] =	wrdreg $0xC0  }
0xac: {  	_ =	task [dreg:s8], $0x5FFFF  }
0xad: {  	[dreg:$0x1] =	wrdreg $0xFFFFFFFF  }
0xae: {  	[dreg:$0x0] =	wrdreg $0x60  }
0xaf: {  	[dreg:$0x2] =	wrdreg s2  }
0xb0: {  	[dreg:$0x3] =	wrdreg s24  }
0xb1: {  	[dreg:$0x4] =	wrdreg s18  }
0xb2: {  	[dreg:$0x5] =	wrdreg $0x81000  }
0xb3: {  	[dreg:$0x6] =	wrdreg $0x9  }
0xb4: {  	_ =	task.clear_ibuf [dreg:s8], $0x7FFFF;
	_ =	strace $0x90000046  }
0xb5: {  	s29 =	simm.s32 $0x9;
	_ =	strace $0x80000048  }
0xb6: {  	_ =	swait.ge [sflag:s29], $0x1  }
0xb7: {  	[sflag:s29] =	ssyncadd.s32 $0xFFFFFFFF  }
0xb8: {  	_ =	strace $0x90000048  }
0xb9: {  	_ =	sfence  }
0xba: {  	s30 =	sld [smem:$0x0];
	_ =	sdelay $0x2  }
0xbb: {  	s31 =	sshll.u32 s1, $0xD;
	s1 =	sshrl.u32 s1, $0x2  }
0xbc: {  	s3 =	sand.u32 $0x4000, s31;
	s1 =	sadd.s32 s1, s30  }
0xbd: {  	s0 =	sor.u32 s3, s0;
	s1 =	sshll.u32 s1, $0x11  }
0xbe: {  	s0 =	sor.u32 s1, s0  }
0xbf: {  	s0 =	sadd.s32 $0x8F2B, s0  }
0xc0: {  	[sflag:s0] =	ssyncadd.remote.s32 $0x1  }
0xc1: {  	_ =	sfence.sel $0xFFFF  }
0xc2: {  	[dreg:$0x0] =	wrdreg $0xFFFFFFFF;
	(pc) =	sbr.abs _section_cstart, $3  }
0xc3: {  	[dreg:$0x1] =	wrdreg $0xFFFFFFFF  }
0xc4: {  	_ =	task.clear_ibuf [dreg:s8], $0x2FFFF;
	_ =	strace $0x9FFFFFFF  }
0xc5: {  	(tm) =	ssettm $0x7FFFFFFF  }
tec
execute0_lowered:
.L_overlay_start_1:
0x0: {  	(tag) =	ssettag $0x1  }
0x1: {  	s1 =	rddreg [dreg:$0x0]  }
0x2: {  	s6 =	rddreg [dreg:$0x1]  }
0x3: {  	s2 =	rddreg [dreg:$0x2]  }
0x4: {  	s3 =	rddreg [dreg:$0x3]  }
0x5: {  	s0 =	rddreg [dreg:$0x4];
	s4 =	simm.s32 $0x0  }
0x6: {  	s8 =	stileid.u32;
	s5 =	srdreg.scid;
	s13 =	simm.s32 $0x4100  }
0x7: {  	s14 =	simm.s32 $0x100;
	s15 =	simm.s32 $0x1;
	s7 =	smul.u32 $0x50000, s8  }
0x8: {  	s16 =	simm.s32 $0x0;
	s9 =	sand.u32 $0x1, s5;
	s12 =	smul.u32 $0xA00, s8  }
0x9: {  	[smem:$0x7FF] =	sst s4;
	s5 =	sadd.s32 $0xC200, s6;
	s11 =	smul.u32 $0x28000, s9  }
0xa: {  	p0 =	sne.s32 s8, $0x0;
	s10 =	ssub.s32 $0x2, s9;
	s9 =	smul.u32 $0x500, s9  }
0xb: {  	_ =	strace $0x80000047;
	s6 =	sadd.s32 s7, s6;
	s30 =	sshrl.u32 s10, $0x1  }
0xc: {  	s7 =	ssub.s32 s10, s30;
	s31 =	sadd.s32 s11, s6;
	s9 =	sadd.s32 s9, s12  }
0xd: {  	s10 =	sshrl.u32 @!p0 s3, $0x3;
	s11 =	simm.s32 $0x2;
	s12 =	simm.s32 $0x80  }
0xe: {  	s6 =	smax.u32 s7, $0x1;
	s7 =	sadd.s32 $0x16200, s31;
	s8 =	sadd.s32 $0x516200, s31  }
.LBB2_1:
0xf: {  	s17 =	simm.s32 @!p0 $0x1C02  }
0x10: {  	[spmem:s10], [sflag:s17] =	dma.local @!p0 [hbm:s1], $0x27100  }
0x11: {  	s17 =	simm.s32 @!p0 $0x2  }
0x12: {  	s18 =	sadd.s32 $0x0, s9;
	_ =	swait.ge @!p0 [sflag:s17], $0x27100  }
0x13: {  	s19 =	sand.u32 $0x70, s4;
	s18 =	sand.u32 $0xFFFFF80, s18;
	[sflag:s17] =	ssyncset.done @!p0 $0x0  }
0x14: {  	s29 =	sor.u32 s19, s18;
	[sflag:s17] =	ssyncadd.s32 @!p0 $0xFFFD8F00  }
0x15: {  	s18 =	sadd.s32 s5, s29;
	[bflag:$0x0] =	sbarrier.arrive $0xFFFF  }
0x16: {  	[tilespmem:s4], [sflag:$0x2] =	stream.linear.gather [hbm4b:s18+s4], $0x80, $0x38;
	[tilespmem:$0x1B980] =	vst v63  }
0x17: {  	_ =	swait.ge [sflag:s11], $0x80  }
0x18: {  	[sflag:s11] =	ssyncset.done $0x0  }
0x19: {  	s17 =	sadd.s32 s2, s29;
	[sflag:s11] =	ssyncadd.s32 $0xFFFFFF80  }
0x1a: {  	[tilespmem:s12], [sflag:$0x2] =	stream.linear.gather [hbm4b:s17+s4], $0x80, $0x38;
	[tilespmem:$0x1B980] =	vst v63  }
0x1b: {  	_ =	swait.ge [sflag:s11], $0x80  }
0x1c: {  	[sflag:s11] =	ssyncset.done $0x0  }
0x1d: {  	[sflag:s11] =	ssyncadd.s32 $0xFFFFFF80  }
0x1e: {  	[tilespmem:s13], [sflag:$0x1] =	stream.indirect.gather [spmem:s3], $0x80, s4, s12, $0xb8;
	[tilespmem:$0x1B980] =	vst v63  }
0x1f: {  	_ = 	snop  }
0x20: {  	[tilespmem:s14], [sflag:$0x1] =	stream.indirect.gather [spmem:s3], $0x80, s12, s12, $0xb8;
	[tilespmem:$0x1B980] =	vst v63  }
0x21: {  	_ =	swait.ge [sflag:s15], $0x4000  }
0x22: {  	[sflag:s15] =	ssyncset.done $0x0  }
0x23: {  	[sflag:s15] =	ssyncadd.s32 $0xFFFFC000  }
0x24: {  	_ =	swait.ge [sflag:s15], $0x4000  }
0x25: {  	[sflag:s15] =	ssyncset.done $0x0  }
0x26: {  	[sflag:s15] =	ssyncadd.s32 $0xFFFFC000  }
0x27: {  	[hbm4b:s8+s4] =	stream.linear.scatter [tilespmem:s13], [sflag:$0x2], $0x4000, $0x38;
	[tilespmem:$0x1B980] =	vst v63  }
0x28: {  	_ =	swait.ge [sflag:s11], $0x4000  }
0x29: {  	s30 =	simm.s32 $0x10;
	s31 =	sadd.s32 $0x10, s9;
	[sflag:s11] =	ssyncset.done $0x0  }
0x2a: {  	s19 =	sand.u32 $0xFFFFF80, s31;
	s18 =	sand.u32 $0x70, s30;
	[sflag:s11] =	ssyncadd.s32 $0xFFFFC000  }
0x2b: {  	[hbm4b:s7+s4] =	stream.linear.scatter [tilespmem:s14], [sflag:$0x2], $0x4000, $0x38;
	[tilespmem:$0x1B980] =	vst v63  }
0x2c: {  	s20 =	simm.s32 $0x20;
	s19 =	sor.u32 s18, s19;
	_ =	swait.ge [sflag:s11], $0x4000  }
0x2d: {  	s18 =	sadd.s32 $0x800, s7;
	s17 =	sadd.s32 $0x800, s8;
	[sflag:s11] =	ssyncset.done $0x0  }
.LBB2_2:
0x2e: {  	s21 =	sadd.s32 s5, s19  }
0x2f: {  	[sflag:s11] =	ssyncadd.s32 $0xFFFFC000;
	s22 =	smov.u32 s20;
	s23 =	sadd.s32 $0x10, s20  }
0x30: {  	[tilespmem:s4], [sflag:$0x2] =	stream.linear.gather [hbm4b:s21+s4], $0x80, $0x38;
	[tilespmem:$0x1B980] =	vst v63  }
0x31: {  	p1 =	sne.s32 s20, $0x4F0;
	_ =	swait.ge [sflag:s11], $0x80  }
0x32: {  	[sflag:s11] =	ssyncset.done $0x0  }
0x33: {  	s19 =	sadd.s32 s2, s19;
	[sflag:s11] =	ssyncadd.s32 $0xFFFFFF80  }
0x34: {  	[tilespmem:s12], [sflag:$0x2] =	stream.linear.gather [hbm4b:s19+s4], $0x80, $0x38;
	[tilespmem:$0x1B980] =	vst v63  }
0x35: {  	_ =	swait.ge [sflag:s11], $0x80  }
0x36: {  	[sflag:s11] =	ssyncset.done $0x0  }
0x37: {  	[sflag:s11] =	ssyncadd.s32 $0xFFFFFF80  }
0x38: {  	[tilespmem:s13], [sflag:$0x1] =	stream.indirect.gather [spmem:s3], $0x80, s4, s12, $0xb8;
	[tilespmem:$0x1B980] =	vst v63  }
0x39: {  	_ = 	snop  }
0x3a: {  	[tilespmem:s14], [sflag:$0x1] =	stream.indirect.gather [spmem:s3], $0x80, s12, s12, $0xb8;
	[tilespmem:$0x1B980] =	vst v63  }
0x3b: {  	_ =	swait.ge [sflag:s15], $0x4000  }
0x3c: {  	[sflag:s15] =	ssyncset.done $0x0  }
0x3d: {  	[sflag:s15] =	ssyncadd.s32 $0xFFFFC000  }
0x3e: {  	_ =	swait.ge [sflag:s15], $0x4000  }
0x3f: {  	[sflag:s15] =	ssyncset.done $0x0  }
0x40: {  	[sflag:s15] =	ssyncadd.s32 $0xFFFFC000  }
0x41: {  	[hbm4b:s17+s4] =	stream.linear.scatter [tilespmem:s13], [sflag:$0x2], $0x4000, $0x38;
	[tilespmem:$0x1B980] =	vst v63  }
0x42: {  	s20 =	sand.u32 $0x70, s22;
	_ =	swait.ge [sflag:s11], $0x4000  }
.Ltmp0:
0x43: {  	s19 =	sadd.s32 s22, s9;
	[sflag:s11] =	ssyncset.done $0x0;
	(pc) =	sbr.rel @p1 .LBB2_2-.Ltmp0, $4  }
0x44: {  	s19 =	sand.u32 $0xFFFFF80, s19;
	s17 =	sadd.s32 $0x800, s17;
	[sflag:s11] =	ssyncadd.s32 $0xFFFFC000  }
0x45: {  	[hbm4b:s18+s4] =	stream.linear.scatter [tilespmem:s14], [sflag:$0x2], $0x4000, $0x38;
	[tilespmem:$0x1B980] =	vst v63  }
0x46: {  	s19 =	sor.u32 s20, s19;
	_ =	swait.ge [sflag:s11], $0x4000  }
0x47: {  	s20 =	smov.u32 s23;
	s18 =	sadd.s32 $0x800, s18;
	[sflag:s11] =	ssyncset.done $0x0  }
0x48: {  	s20 =	sadd.s32 s5, s19;
	[sflag:s11] =	ssyncadd.s32 $0xFFFFC000  }
0x49: {  	[tilespmem:s4], [sflag:$0x2] =	stream.linear.gather [hbm4b:s20+s4], $0x80, $0x38;
	[tilespmem:$0x1B980] =	vst v63  }
0x4a: {  	_ =	swait.ge [sflag:s11], $0x80  }
0x4b: {  	[sflag:s11] =	ssyncset.done $0x0  }
0x4c: {  	s31 =	sadd.s32 s2, s19;
	[sflag:s11] =	ssyncadd.s32 $0xFFFFFF80  }
0x4d: {  	[tilespmem:s12], [sflag:$0x2] =	stream.linear.gather [hbm4b:s31+s4], $0x80, $0x38;
	[tilespmem:$0x1B980] =	vst v63  }
0x4e: {  	_ =	swait.ge [sflag:s11], $0x80  }
0x4f: {  	[sflag:s11] =	ssyncset.done $0x0  }
0x50: {  	[sflag:s11] =	ssyncadd.s32 $0xFFFFFF80  }
0x51: {  	[tilespmem:s13], [sflag:$0x1] =	stream.indirect.gather [spmem:s3], $0x80, s4, s12, $0xb8;
	[tilespmem:$0x1B980] =	vst v63  }
0x52: {  	_ = 	snop  }
0x53: {  	[tilespmem:s14], [sflag:$0x1] =	stream.indirect.gather [spmem:s3], $0x80, s12, s12, $0xb8;
	[tilespmem:$0x1B980] =	vst v63  }
0x54: {  	_ =	swait.ge [sflag:s15], $0x4000  }
0x55: {  	[sflag:s15] =	ssyncset.done $0x0  }
0x56: {  	[sflag:s15] =	ssyncadd.s32 $0xFFFFC000  }
0x57: {  	_ =	swait.ge [sflag:s15], $0x4000  }
0x58: {  	[sflag:s15] =	ssyncset.done $0x0  }
0x59: {  	[sflag:s15] =	ssyncadd.s32 $0xFFFFC000  }
0x5a: {  	[hbm4b:s17+s4] =	stream.linear.scatter [tilespmem:s13], [sflag:$0x2], $0x4000, $0x38;
	[tilespmem:$0x1B980] =	vst v63  }
0x5b: {  	s16 =	sadd.s32 $0x1, s16;
	_ =	swait.ge [sflag:s11], $0x4000  }
0x5c: {  	p1 =	sne.s32 s16, s6;
	[sflag:s11] =	ssyncset.done $0x0  }
.Ltmp1:
0x5d: {  	[sflag:s11] =	ssyncadd.s32 $0xFFFFC000;
	(pc) =	sbr.rel @p1 .LBB2_1-.Ltmp1, $4  }
0x5e: {  	[hbm4b:s18+s4] =	stream.linear.scatter [tilespmem:s14], [sflag:$0x2], $0x4000, $0x38;
	[tilespmem:$0x1B980] =	vst v63  }
0x5f: {  	_ =	swait.ge [sflag:s11], $0x4000  }
0x60: {  	[sflag:s11] =	ssyncset.done $0x0  }
0x61: {  	[sflag:s11] =	ssyncadd.s32 $0xFFFFC000  }
0x62: {  	_ =	sfence.sel $0x180000  }
0x63: {  	[bflag:$0x0] =	sbarrier.arrive $0xFFFF  }
0x64: {  	_ =	strace $0x90000047  }
0x65: {  	s0 =	sadd.s32 @!p0 $0x100000, s0;
	[bflag:$0x2] =	sbarrier.arrive $0xFFFF  }
0x66: {  	[sflag:s0] =	ssyncadd.tile.s32 @!p0 $0x1;
	_ =	shalt  }
.Lfunc_end2:
_tile_overlayer_lowered:
.L_overlay_start_2:
0x67: {  	(tag) =	ssettag $0x2  }
0x68: {  	s0 =	rddreg [dreg:$0x0];
	s2 =	stileid.u32  }
0x69: {  	s1 =	rddreg [dreg:$0x1];
	p0 =	sne.s32 s2, $0x0  }
0x6a: {  	s3 =	rddreg [dreg:$0x2];
	[bflag:$0x3] =	sbarrier.arrive $0xFFFF;
	s2 =	simm.s32 @!p0 $0x1C02  }
0x6b: {  	[timem:s3], [sflag:s2] =	dma.local @!p0 [hbm:s0], s1  }
0x6c: {  	s0 =	simm.s32 @!p0 $0x2  }
0x6d: {  	_ =	swait.ge @!p0 [sflag:s0], s1  }
0x6e: {  	s1 =	ssub.s32 @!p0 $0x0, s1;
	[sflag:s0] =	ssyncset.done @!p0 $0x0  }
0x6f: {  	[sflag:s0] =	ssyncadd.s32 @!p0 s1  }
0x70: {  	[bflag:$0x3] =	sbarrier.arrive $0xFFFF  }
0x71: {  	_ =	shalt  }

</sc_bundles>
